<compile_context>
chip_gen: v7x
topology: tpu7x:2x2x1
jax: 0.10.2.dev20260603
libtpu: 0.0.44.dev20260713+nightly
codegen_flags: <defaults>
</compile_context>

<pallas_src>
import functools

import jax
import jax.numpy as jnp
from jax import lax
from jax.experimental import pallas as pl
from jax.experimental.pallas import tpu as pltpu
from jax.experimental.pallas import tpu_sc as plsc

N = 50000
E = 800000
M = 16
H = 16
T = 16
C = 64

NC = 2
NS = 16
NW = NC * NS
L = 16
CH = 128
RPB = 28
IB = RPB * CH
PD = 4
NB0 = 9
NB1 = 5
EPW0 = NB0 * IB
EPW1 = NB1 * IB
E_PAD = NS * (EPW0 + EPW1)
RPS = 3128
N_PAD = NS * RPS

PK = 8
BP = 128
NPK = N // PK
GB = (NPK + BP - 1) // BP


BN = 1000


def _msg_table_body(f_ref, w_ref, o_ref):
    f = f_ref[...]
    o_ref[0] = jnp.dot(f, w_ref[0], preferred_element_type=jnp.float32)
    o_ref[1] = jnp.dot(f, w_ref[1], preferred_element_type=jnp.float32)


def _msg_table(features, w2h):
    return pl.pallas_call(
        _msg_table_body,
        grid=(N // BN,),
        in_specs=[
            pl.BlockSpec((BN, H), lambda j: (j, 0)),
            pl.BlockSpec((2, H, 128), lambda j: (0, 0, 0)),
        ],
        out_specs=pl.BlockSpec((2, BN, 128), lambda j: (0, j, 0)),
        out_shape=jax.ShapeDtypeStruct((2, N, 128), jnp.float32),
    )(features, w2h)


def _sc_body(g_hbm, ei_hbm, typ_hbm, zero_hbm, out_hbm,
             srcv, typv, dst1v, gidx, dstv, bufs, m_sh, gsems, ssems):
    c = lax.axis_index("c")
    s = lax.axis_index("s")
    wbase = lax.select(c == 0, s * EPW0, NS * EPW0 + s * EPW1)
    nb = lax.select(c == 0, NB0, NB1)

    pltpu.sync_copy(zero_hbm.at[pl.ds(s * RPS, RPS)],
                    m_sh.at[pl.ds(s * RPS, RPS)])
    plsc.subcore_barrier()

    def outer(b, carry):
        base = wbase + b * IB
        pltpu.sync_copy(ei_hbm.at[0, pl.ds(base, IB)], srcv)
        pltpu.sync_copy(ei_hbm.at[1, pl.ds(base, IB)], dst1v)
        pltpu.sync_copy(typ_hbm.at[pl.ds(base, IB)], typv)

        def idx_body(i, carry2):
            sv = srcv[pl.ds(i * L, L)]
            tv = typv[pl.ds(i * L, L)]
            dv = dst1v[pl.ds(i * L, L)]
            g = sv * PK + (tv & (PK - 1)) + (tv >> 3) * (N * PK)
            gidx[i // (CH // L), pl.ds((i % (CH // L)) * L, L)] = g
            dstv[i // (CH // L), pl.ds((i % (CH // L)) * L, L)] = dv
            return carry2
        lax.fori_loop(0, IB // L, idx_body, 0)

        for k in range(PD):
            pltpu.async_copy(g_hbm.at[gidx.at[k]], bufs[k], gsems[k])

        def group(q, carry2):
            j0 = q * PD
            for k in range(PD):
                pltpu.make_async_copy(g_hbm.at[gidx.at[j0 + k]], bufs[k],
                                      gsems[k]).wait()
                pltpu.async_copy(bufs[k], m_sh.at[dstv.at[j0 + k]], ssems[k],
                                 add=True)

            @pl.when(q < RPB // PD - 1)
            def _():
                for k in range(PD):
                    pltpu.make_async_copy(bufs[k], m_sh.at[dstv.at[j0 + k]],
                                          ssems[k]).wait()
                    pltpu.async_copy(g_hbm.at[gidx.at[j0 + PD + k]], bufs[k],
                                     gsems[k])
            return carry2
        lax.fori_loop(0, RPB // PD, group, 0)
        for k in range(PD):
            pltpu.make_async_copy(bufs[k], m_sh.at[dstv.at[RPB - PD + k]],
                                  ssems[k]).wait()
        return carry

    lax.fori_loop(0, nb, outer, 0)
    plsc.subcore_barrier()
    pltpu.sync_copy(m_sh.at[pl.ds(s * RPS, RPS)],
                    out_hbm.at[c, pl.ds(s * RPS, RPS)])


@functools.lru_cache(maxsize=1)
def _sc_gather_scatter():
    def body(g_hbm, ei_hbm, typ_hbm, zero_hbm, out_hbm, srcv, typv, dst1v,
             gidx, dstv, b0, b1, b2, b3, m_sh, g0, g1, g2, g3, s0, s1, s2, s3):
        _sc_body(g_hbm, ei_hbm, typ_hbm, zero_hbm, out_hbm, srcv, typv,
                 dst1v, gidx, dstv, [b0, b1, b2, b3], m_sh,
                 [g0, g1, g2, g3], [s0, s1, s2, s3])

    return pl.kernel(
        body,
        out_type=jax.ShapeDtypeStruct((NC, N_PAD, M), jnp.float32),
        mesh=plsc.VectorSubcoreMesh(core_axis_name="c", subcore_axis_name="s",
                                    num_cores=NC, num_subcores=NS),
        scratch_types=[
            pltpu.VMEM((IB,), jnp.int32),
            pltpu.VMEM((IB,), jnp.int32),
            pltpu.VMEM((IB,), jnp.int32),
            pltpu.VMEM((RPB, CH), jnp.int32),
            pltpu.VMEM((RPB, CH), jnp.int32),
        ] + [pltpu.VMEM((CH, M), jnp.float32) for _ in range(PD)]
        + [pltpu.VMEM_SHARED((N_PAD, M), jnp.float32)]
        + [pltpu.SemaphoreType.DMA for _ in range(2 * PD)],
        compiler_params=pltpu.CompilerParams(use_tc_tiling_on_sc=False),
    )


def _gru_body(p_ref, f_ref, wi_ref, wh_ref, wo_ref, bi_ref, bh_ref, bo_ref,
              o_ref):
    m = p_ref[0] + p_ref[1]
    f = f_ref[...]
    gi = jnp.dot(m, wi_ref[...], preferred_element_type=jnp.float32) + bi_ref[...]
    gh = jnp.dot(f, wh_ref[...], preferred_element_type=jnp.float32) + bh_ref[...]
    r = jax.nn.sigmoid(gi[:, :128] + gh[:, :128])
    z = jax.nn.sigmoid(gi[:, 128:256] + gh[:, 128:256])
    n = jnp.tanh(gi[:, 256:] + r * gh[:, 256:])
    h_new = (1.0 - z) * n + z * f
    o_ref[...] = jnp.dot(h_new, wo_ref[...],
                         preferred_element_type=jnp.float32) + bo_ref[...]


def _gru_readout(p2, fp, wi_blk, wh_blk, wo_blk, bi_p, bh_p, bo_p):
    full = lambda j: (0, 0)
    return pl.pallas_call(
        _gru_body,
        grid=(GB,),
        in_specs=[
            pl.BlockSpec((2, BP, 128), lambda j: (0, j, 0)),
            pl.BlockSpec((BP, 128), lambda j: (j, 0)),
            pl.BlockSpec((128, 3 * 128), full),
            pl.BlockSpec((128, 3 * 128), full),
            pl.BlockSpec((128, PK * C), full),
            pl.BlockSpec((1, 3 * 128), full),
            pl.BlockSpec((1, 3 * 128), full),
            pl.BlockSpec((1, PK * C), full),
        ],
        out_specs=pl.BlockSpec((BP, PK * C), lambda j: (j, 0)),
        out_shape=jax.ShapeDtypeStruct((NPK, PK * C), jnp.float32),
    )(p2, fp, wi_blk, wh_blk, wo_blk, bi_p, bh_p, bo_p)


def kernel(features, edge_index, edge_type, edge_table, W_ih, W_hh, b_ih,
           b_hh, W_out, b_out):
    eye8 = jnp.eye(PK, dtype=jnp.float32)
    w2 = edge_table.reshape(T, M, H).transpose(2, 0, 1).reshape(H, T * M)
    w2h = jnp.stack([w2[:, :128], w2[:, 128:]])
    wi_t = W_ih.T
    wh_t = W_hh.T
    wi_blk = jnp.concatenate(
        [jnp.kron(eye8, wi_t[:, g * H:(g + 1) * H]) for g in range(3)], axis=1)
    wh_blk = jnp.concatenate(
        [jnp.kron(eye8, wh_t[:, g * H:(g + 1) * H]) for g in range(3)], axis=1)
    wo_blk = jnp.kron(eye8, W_out.T)
    bi_p = jnp.tile(b_ih.reshape(3, 1, H), (1, PK, 1)).reshape(1, 3 * 128)
    bh_p = jnp.tile(b_hh.reshape(3, 1, H), (1, PK, 1)).reshape(1, 3 * 128)
    bo_p = jnp.tile(b_out.reshape(1, C), (PK, 1)).reshape(1, PK * C)

    pad = E_PAD - E
    padcol = jnp.stack([jnp.zeros((pad,), jnp.int32),
                        jnp.full((pad,), N, jnp.int32)])
    ei1 = jnp.concatenate([edge_index, padcol], axis=1)
    typ1 = jnp.concatenate([edge_type, jnp.zeros((pad,), jnp.int32)])
    zero = jnp.zeros((N_PAD, M), jnp.float32)

    fp = features.reshape(NPK, 128)
    g = _msg_table(features, w2h)
    g1 = g.reshape(N * T, M)

    partials = _sc_gather_scatter()(g1, ei1, typ1, zero)
    p2 = partials.reshape(NC, N_PAD * M // 128, 128)

    out_p = _gru_readout(p2, fp, wi_blk, wh_blk, wo_blk, bi_p, bh_p, bo_p)
    return out_p.reshape(N, C)

# --- scband reference (transcript-rebuilt; emitter-appended) ---
"""Pipeline reference for scband-ggnn-42502996361635 (READ-ONLY COPY).

The authoritative reference and input builder live on the scoring server;
editing this copy changes nothing except your own understanding.
"""

import jax, jax.numpy as jnp
import numpy as np

N = 50000
E = 800000
M = 16   # msg_dim
H = 16   # hidden_dim
T = 16   # num_edge_type
C = 64   # num_classes


def setup_inputs(seed: int = 0) -> dict:
    key = jax.random.key(seed)
    ks = jax.random.split(key, 10)
    features = jax.random.normal(ks[0], (N, H), dtype=jnp.float32)
    edge_index = jax.random.randint(ks[1], (2, E), 0, N, dtype=jnp.int32)
    edge_type = jax.random.randint(ks[2], (E,), 0, T, dtype=jnp.int32)
    # learned parameters
    edge_table = jax.random.normal(ks[3], (T, M * H), dtype=jnp.float32) * (1.0 / np.sqrt(H))
    k_gru = 1.0 / np.sqrt(H)
    W_ih = jax.random.uniform(ks[4], (3 * H, M), dtype=jnp.float32, minval=-k_gru, maxval=k_gru)
    W_hh = jax.random.uniform(ks[5], (3 * H, H), dtype=jnp.float32, minval=-k_gru, maxval=k_gru)
    b_ih = jax.random.uniform(ks[6], (3 * H,), dtype=jnp.float32, minval=-k_gru, maxval=k_gru)
    b_hh = jax.random.uniform(ks[7], (3 * H,), dtype=jnp.float32, minval=-k_gru, maxval=k_gru)
    W_out = jax.random.normal(ks[8], (C, H), dtype=jnp.float32) * (1.0 / np.sqrt(H))
    b_out = jnp.zeros((C,), dtype=jnp.float32)
    return {"features": features, "edge_index": edge_index, "edge_type": edge_type,
            "edge_table": edge_table, "W_ih": W_ih, "W_hh": W_hh, "b_ih": b_ih,
            "b_hh": b_hh, "W_out": W_out, "b_out": b_out}


def reference(features, edge_index, edge_type, edge_table, W_ih, W_hh, b_ih, b_hh, W_out, b_out):
    src = edge_index[0]
    dst = edge_index[1]
    # message: A[e] @ h_src[e],  A = edge_matrix(edge_type).view(-1, M, H)
    A = jnp.take(edge_table, edge_type, axis=0).reshape(-1, M, H)   # [E, M, H] gather
    h_src = jnp.take(features, src, axis=0)                          # [E, H] gather
    msg = jnp.einsum('emh,eh->em', A, h_src)                         # [E, M]
    # reduce: fn.sum(msg -> m) grouped by destination node
    m = jax.ops.segment_sum(msg, dst, num_segments=features.shape[0])  # [N, M] scatter-add
    # apply: single-step GRU (PyTorch gate layout: r, z, n)
    gi = m @ W_ih.T + b_ih            # [N, 3H]
    gh = features @ W_hh.T + b_hh     # [N, 3H]
    i_r, i_z, i_n = jnp.split(gi, 3, axis=1)
    h_r, h_z, h_n = jnp.split(gh, 3, axis=1)
    r = jax.nn.sigmoid(i_r + h_r)
    z = jax.nn.sigmoid(i_z + h_z)
    n = jnp.tanh(i_n + r * h_n)
    h_new = (1.0 - z) * n + z * features   # [N, H]
    # readout
    return h_new @ W_out.T + b_out          # [N, C]

if __name__ == "__main__":
    import jax
    _d = setup_inputs()
    print(jax.jit(kernel)(*tuple(_d.values())))

</pallas_src>

<mosaic_0001>
#map = affine_map<(d0, d1) -> (0, 0)>
#map1 = affine_map<(d0, d1) -> (0)>
#map2 = affine_map<(d0, d1) -> (0, 0, 0)>
module attributes {stable_mosaic.version = 14 : i64} {
  func.func @body(%arg0: i32, %arg1: i32, %arg2: memref<800000x16xf32, #tpu.memory_space<hbm>>, %arg3: memref<2x802816xi32, #tpu.memory_space<hbm>>, %arg4: memref<802816xi32, #tpu.memory_space<hbm>>, %arg5: memref<50048x16xf32, #tpu.memory_space<hbm>>, %arg6: memref<2x50048x16xf32, #tpu.memory_space<hbm>>, %arg7: memref<3584xi32, #tpu.memory_space<vmem>>, %arg8: memref<3584xi32, #tpu.memory_space<vmem>>, %arg9: memref<3584xi32, #tpu.memory_space<vmem>>, %arg10: memref<28x128xi32, #tpu.memory_space<vmem>>, %arg11: memref<28x128xi32, #tpu.memory_space<vmem>>, %arg12: memref<128x16xf32, #tpu.memory_space<vmem>>, %arg13: memref<128x16xf32, #tpu.memory_space<vmem>>, %arg14: memref<128x16xf32, #tpu.memory_space<vmem>>, %arg15: memref<128x16xf32, #tpu.memory_space<vmem>>, %arg16: memref<50048x16xf32, #tpu.memory_space<vmem_shared>>, %arg17: memref<!tpu.dma_semaphore, #tpu.memory_space<semaphore_mem>>, %arg18: memref<!tpu.dma_semaphore, #tpu.memory_space<semaphore_mem>>, %arg19: memref<!tpu.dma_semaphore, #tpu.memory_space<semaphore_mem>>, %arg20: memref<!tpu.dma_semaphore, #tpu.memory_space<semaphore_mem>>, %arg21: memref<!tpu.dma_semaphore, #tpu.memory_space<semaphore_mem>>, %arg22: memref<!tpu.dma_semaphore, #tpu.memory_space<semaphore_mem>>, %arg23: memref<!tpu.dma_semaphore, #tpu.memory_space<semaphore_mem>>, %arg24: memref<!tpu.dma_semaphore, #tpu.memory_space<semaphore_mem>>) attributes {dimension_semantics = [#tpu.dimension_semantics<core_parallel>, #tpu.dimension_semantics<subcore_parallel>], iteration_bounds = array<i64: 2, 16>, scalar_prefetch = 0 : i64, scratch_operands = 18 : i64, tpu.core_type = #tpu.core_type<sc_vector_subcore>, window_params = [{transform_indices = #map}, {transform_indices = #map}, {transform_indices = #map1}, {transform_indices = #map}, {transform_indices = #map2}]} {
    %eq3A = arith.constant 0 : i32
    %eq3A_0 = arith.cmpi eq, %arg0, %eq3A : i32
    %mul3A = arith.constant 32256 : i32
    %mul3A_1 = arith.muli %arg1, %mul3A : i32
    %mul3A_2 = arith.constant 17920 : i32
    %mul3A_3 = arith.muli %arg1, %mul3A_2 : i32
    %add3A = arith.constant 516096 : i32
    %add3A_4 = arith.addi %add3A, %mul3A_3 : i32
    %select_n3A = arith.select %eq3A_0, %mul3A_1, %add3A_4 : i32
    %eq3A_5 = arith.constant 0 : i32
    %eq3A_6 = arith.cmpi eq, %arg0, %eq3A_5 : i32
    %select_n3A_7 = arith.constant 5 : i32
    %select_n3A_8 = arith.constant 9 : i32
    %select_n3A_9 = arith.select %eq3A_6, %select_n3A_8, %select_n3A_7 : i32
    %mul3A_10 = arith.constant 3128 : i32
    %mul3A_11 = arith.muli %arg1, %mul3A_10 : i32
    %mul3A_12 = arith.constant 3128 : i32
    %mul3A_13 = arith.muli %arg1, %mul3A_12 : i32
    "tpu.region"() ({
      %run_scoped3A = tpu.sem_alloc : memref<!tpu.dma_semaphore, #tpu.memory_space<semaphore_mem>>
      %dma_start3A = arith.constant 0 : i32
      %dma_start3A_28 = tpu.memref_slice %arg16[%mul3A_13, %dma_start3A] : memref<50048x16xf32, #tpu.memory_space<vmem_shared>> -> memref<3128x16xf32, #tpu.memory_space<vmem_shared>>
      %dma_start3A_29 = arith.constant 0 : i32
      %dma_start3A_30 = tpu.memref_slice %arg5[%mul3A_11, %dma_start3A_29] : memref<50048x16xf32, #tpu.memory_space<hbm>> -> memref<3128x16xf32, #tpu.memory_space<hbm>>
      tpu.enqueue_dma source(%dma_start3A_30 : memref<3128x16xf32, #tpu.memory_space<hbm>>) target(%dma_start3A_28 : memref<3128x16xf32, #tpu.memory_space<vmem_shared>>) target_semaphore(%run_scoped3A : memref<!tpu.dma_semaphore, #tpu.memory_space<semaphore_mem>>)
      %dma_wait3A = arith.constant 0 : i32
      %dma_wait3A_31 = tpu.memref_slice %arg16[%mul3A_13, %dma_wait3A] : memref<50048x16xf32, #tpu.memory_space<vmem_shared>> -> memref<3128x16xf32, #tpu.memory_space<vmem_shared>>
      %dma_wait3A_32 = arith.constant 0 : i32
      %dma_wait3A_33 = tpu.memref_slice %arg5[%mul3A_11, %dma_wait3A_32] : memref<50048x16xf32, #tpu.memory_space<hbm>> -> memref<3128x16xf32, #tpu.memory_space<hbm>>
      tpu.wait_dma2 semaphore(%run_scoped3A : memref<!tpu.dma_semaphore, #tpu.memory_space<semaphore_mem>>) src(%dma_wait3A_33 : memref<3128x16xf32, #tpu.memory_space<hbm>>) dst(%dma_wait3A_31 : memref<3128x16xf32, #tpu.memory_space<vmem_shared>>)
      tpu.yield
    }) : () -> ()
    %barrier3A = arith.constant 0 : index
    tpu.barrier barrier_id(%barrier3A)
    %while3A = arith.constant 0 : i32
    %while3A_14 = arith.constant 0 : i32
    %while3A_15 = arith.subi %select_n3A_9, %while3A_14 : i32
    %while3A_16 = arith.addi %while3A_14, %while3A_15 : i32
    %while3A_17 = arith.constant 1 : i32
    %while3A_18 = arith.divsi %while3A_15, %while3A_17 : i32
    %while3A_19 = arith.muli %while3A_18, %while3A_17 : i32
    %while3A_20 = arith.addi %while3A_14, %while3A_19 : i32
    %while3A_21 = arith.constant 1 : i32
    scf.for %while3A_28 = %while3A_14 to %while3A_20 step %while3A_21  : i32 {
      %mul3A_29 = arith.constant 3584 : i32
      %mul3A_30 = arith.muli %while3A_28, %mul3A_29 : i32
      %add3A_31 = arith.addi %select_n3A, %mul3A_30 : i32
      %run_scoped3A = arith.constant 0 : i32
      "tpu.region"() ({
        %run_scoped3A_98 = tpu.sem_alloc : memref<!tpu.dma_semaphore, #tpu.memory_space<semaphore_mem>>
        %dma_start3A_99 = tpu.memref_slice %arg3[%run_scoped3A, %add3A_31] : memref<2x802816xi32, #tpu.memory_space<hbm>> -> memref<1x3584xi32, #tpu.memory_space<hbm>>
        %dma_start3A_100 = tpu.memref_squeeze %dma_start3A_99 : memref<1x3584xi32, #tpu.memory_space<hbm>> -> memref<3584xi32, #tpu.memory_space<hbm>>
        %dma_start3A_101 = tpu.memref_slice %arg3[%run_scoped3A, %add3A_31] : memref<2x802816xi32, #tpu.memory_space<hbm>> -> memref<1x3584xi32, #tpu.memory_space<hbm>>
        %dma_start3A_102 = tpu.memref_squeeze %dma_start3A_101 : memref<1x3584xi32, #tpu.memory_space<hbm>> -> memref<3584xi32, #tpu.memory_space<hbm>>
        tpu.enqueue_dma source(%dma_start3A_102 : memref<3584xi32, #tpu.memory_space<hbm>>) target(%arg7 : memref<3584xi32, #tpu.memory_space<vmem>>) target_semaphore(%run_scoped3A_98 : memref<!tpu.dma_semaphore, #tpu.memory_space<semaphore_mem>>)
        %dma_wait3A_103 = tpu.memref_slice %arg3[%run_scoped3A, %add3A_31] : memref<2x802816xi32, #tpu.memory_space<hbm>> -> memref<1x3584xi32, #tpu.memory_space<hbm>>
        %dma_wait3A_104 = tpu.memref_squeeze %dma_wait3A_103 : memref<1x3584xi32, #tpu.memory_space<hbm>> -> memref<3584xi32, #tpu.memory_space<hbm>>
        %dma_wait3A_105 = tpu.memref_slice %arg3[%run_scoped3A, %add3A_31] : memref<2x802816xi32, #tpu.memory_space<hbm>> -> memref<1x3584xi32, #tpu.memory_space<hbm>>
        %dma_wait3A_106 = tpu.memref_squeeze %dma_wait3A_105 : memref<1x3584xi32, #tpu.memory_space<hbm>> -> memref<3584xi32, #tpu.memory_space<hbm>>
        tpu.wait_dma2 semaphore(%run_scoped3A_98 : memref<!tpu.dma_semaphore, #tpu.memory_space<semaphore_mem>>) src(%dma_wait3A_106 : memref<3584xi32, #tpu.memory_space<hbm>>) dst(%arg7 : memref<3584xi32, #tpu.memory_space<vmem>>)
        tpu.yield
      }) : () -> ()
      %run_scoped3A_32 = arith.constant 1 : i32
      "tpu.region"() ({
        %run_scoped3A_98 = tpu.sem_alloc : memref<!tpu.dma_semaphore, #tpu.memory_space<semaphore_mem>>
        %dma_start3A_99 = tpu.memref_slice %arg3[%run_scoped3A_32, %add3A_31] : memref<2x802816xi32, #tpu.memory_space<hbm>> -> memref<1x3584xi32, #tpu.memory_space<hbm>>
        %dma_start3A_100 = tpu.memref_squeeze %dma_start3A_99 : memref<1x3584xi32, #tpu.memory_space<hbm>> -> memref<3584xi32, #tpu.memory_space<hbm>>
        %dma_start3A_101 = tpu.memref_slice %arg3[%run_scoped3A_32, %add3A_31] : memref<2x802816xi32, #tpu.memory_space<hbm>> -> memref<1x3584xi32, #tpu.memory_space<hbm>>
        %dma_start3A_102 = tpu.memref_squeeze %dma_start3A_101 : memref<1x3584xi32, #tpu.memory_space<hbm>> -> memref<3584xi32, #tpu.memory_space<hbm>>
        tpu.enqueue_dma source(%dma_start3A_102 : memref<3584xi32, #tpu.memory_space<hbm>>) target(%arg9 : memref<3584xi32, #tpu.memory_space<vmem>>) target_semaphore(%run_scoped3A_98 : memref<!tpu.dma_semaphore, #tpu.memory_space<semaphore_mem>>)
        %dma_wait3A_103 = tpu.memref_slice %arg3[%run_scoped3A_32, %add3A_31] : memref<2x802816xi32, #tpu.memory_space<hbm>> -> memref<1x3584xi32, #tpu.memory_space<hbm>>
        %dma_wait3A_104 = tpu.memref_squeeze %dma_wait3A_103 : memref<1x3584xi32, #tpu.memory_space<hbm>> -> memref<3584xi32, #tpu.memory_space<hbm>>
        %dma_wait3A_105 = tpu.memref_slice %arg3[%run_scoped3A_32, %add3A_31] : memref<2x802816xi32, #tpu.memory_space<hbm>> -> memref<1x3584xi32, #tpu.memory_space<hbm>>
        %dma_wait3A_106 = tpu.memref_squeeze %dma_wait3A_105 : memref<1x3584xi32, #tpu.memory_space<hbm>> -> memref<3584xi32, #tpu.memory_space<hbm>>
        tpu.wait_dma2 semaphore(%run_scoped3A_98 : memref<!tpu.dma_semaphore, #tpu.memory_space<semaphore_mem>>) src(%dma_wait3A_106 : memref<3584xi32, #tpu.memory_space<hbm>>) dst(%arg9 : memref<3584xi32, #tpu.memory_space<vmem>>)
        tpu.yield
      }) : () -> ()
      "tpu.region"() ({
        %run_scoped3A_98 = tpu.sem_alloc : memref<!tpu.dma_semaphore, #tpu.memory_space<semaphore_mem>>
        %dma_start3A_99 = tpu.memref_slice %arg4[%add3A_31] : memref<802816xi32, #tpu.memory_space<hbm>> -> memref<3584xi32, #tpu.memory_space<hbm>>
        %dma_start3A_100 = tpu.memref_slice %arg4[%add3A_31] : memref<802816xi32, #tpu.memory_space<hbm>> -> memref<3584xi32, #tpu.memory_space<hbm>>
        tpu.enqueue_dma source(%dma_start3A_100 : memref<3584xi32, #tpu.memory_space<hbm>>) target(%arg8 : memref<3584xi32, #tpu.memory_space<vmem>>) target_semaphore(%run_scoped3A_98 : memref<!tpu.dma_semaphore, #tpu.memory_space<semaphore_mem>>)
        %dma_wait3A_101 = tpu.memref_slice %arg4[%add3A_31] : memref<802816xi32, #tpu.memory_space<hbm>> -> memref<3584xi32, #tpu.memory_space<hbm>>
        %dma_wait3A_102 = tpu.memref_slice %arg4[%add3A_31] : memref<802816xi32, #tpu.memory_space<hbm>> -> memref<3584xi32, #tpu.memory_space<hbm>>
        tpu.wait_dma2 semaphore(%run_scoped3A_98 : memref<!tpu.dma_semaphore, #tpu.memory_space<semaphore_mem>>) src(%dma_wait3A_102 : memref<3584xi32, #tpu.memory_space<hbm>>) dst(%arg8 : memref<3584xi32, #tpu.memory_space<vmem>>)
        tpu.yield
      }) : () -> ()
      %scan3A = arith.constant 0 : i32
      %scan3A_33 = arith.constant 0 : i32
      %scan3A_34 = arith.constant 224 : i32
      %scan3A_35 = arith.addi %scan3A_33, %scan3A_34 : i32
      %scan3A_36 = arith.constant 1 : i32
      scf.for %scan3A_98 = %scan3A_33 to %scan3A_35 step %scan3A_36  : i32 {
        %mul3A_99 = arith.constant 16 : i32
        %mul3A_100 = arith.muli %scan3A_98, %mul3A_99 : i32
        %get3A = arith.index_cast %mul3A_100 : i32 to index
        %get3A_101 = tpu.vector_load %arg7[%get3A] {strides = array<i32>} : memref<3584xi32, #tpu.memory_space<vmem>>, vector<16xi32>,
        %get3A_102 = vector.shape_cast %get3A_101 : vector<16xi32> to vector<16xi32>
        %mul3A_103 = arith.constant 16 : i32
        %mul3A_104 = arith.muli %scan3A_98, %mul3A_103 : i32
        %get3A_105 = arith.index_cast %mul3A_104 : i32 to index
        %get3A_106 = tpu.vector_load %arg8[%get3A_105] {strides = array<i32>} : memref<3584xi32, #tpu.memory_space<vmem>>, vector<16xi32>,
        %get3A_107 = vector.shape_cast %get3A_106 : vector<16xi32> to vector<16xi32>
        %mul3A_108 = arith.constant 16 : i32
        %mul3A_109 = arith.muli %scan3A_98, %mul3A_108 : i32
        %get3A_110 = arith.index_cast %mul3A_109 : i32 to index
        %get3A_111 = tpu.vector_load %arg9[%get3A_110] {strides = array<i32>} : memref<3584xi32, #tpu.memory_space<vmem>>, vector<16xi32>,
        %get3A_112 = vector.shape_cast %get3A_111 : vector<16xi32> to vector<16xi32>
        %mul3A_113 = arith.constant 8 : i32
        %mul3A_114 = vector.broadcast %mul3A_113 : i32 to vector<16xi32>
        %mul3A_115 = arith.muli %get3A_102, %mul3A_114 : vector<16xi32>
        %and3A = arith.constant 7 : i32
        %and3A_116 = vector.broadcast %and3A : i32 to vector<16xi32>
        %and3A_117 = arith.andi %get3A_107, %and3A_116 : vector<16xi32>
        %add3A_118 = arith.addi %mul3A_115, %and3A_117 : vector<16xi32>
        %shift_right_arithmetic3A = arith.constant 3 : i32
        %shift_right_arithmetic3A_119 = vector.broadcast %shift_right_arithmetic3A : i32 to vector<16xi32>
        %shift_right_arithmetic3A_120 = arith.shrsi %get3A_107, %shift_right_arithmetic3A_119 : vector<16xi32>
        %mul3A_121 = arith.constant 400000 : i32
        %mul3A_122 = vector.broadcast %mul3A_121 : i32 to vector<16xi32>
        %mul3A_123 = arith.muli %shift_right_arithmetic3A_120, %mul3A_122 : vector<16xi32>
        %add3A_124 = arith.addi %add3A_118, %mul3A_123 : vector<16xi32>
        %jit3A = arith.constant 8 : i32
        %div3A = arith.divsi %scan3A_98, %jit3A : i32
        %sign3A = arith.constant 0 : i32
        %sign3A_125 = arith.cmpi sgt, %scan3A_98, %sign3A : i32
        %sign3A_126 = arith.extui %sign3A_125 : i1 to i32
        %sign3A_127 = arith.constant 0 : i32
        %sign3A_128 = arith.cmpi slt, %scan3A_98, %sign3A_127 : i32
        %sign3A_129 = arith.extui %sign3A_128 : i1 to i32
        %sign3A_130 = arith.subi %sign3A_126, %sign3A_129 : i32
        %sign3A_131 = arith.constant 0 : i32
        %sign3A_132 = arith.cmpi sgt, %jit3A, %sign3A_131 : i32
        %sign3A_133 = arith.extui %sign3A_132 : i1 to i32
        %sign3A_134 = arith.constant 0 : i32
        %sign3A_135 = arith.cmpi slt, %jit3A, %sign3A_134 : i32
        %sign3A_136 = arith.extui %sign3A_135 : i1 to i32
        %sign3A_137 = arith.subi %sign3A_133, %sign3A_136 : i32
        %ne3A = arith.cmpi ne, %sign3A_130, %sign3A_137 : i32
        %rem3A = arith.remsi %scan3A_98, %jit3A : i32
        %ne3A_138 = arith.constant 0 : i32
        %ne3A_139 = arith.cmpi ne, %rem3A, %ne3A_138 : i32
        %and3A_140 = arith.andi %ne3A, %ne3A_139 : i1
        %sub3A = arith.constant 1 : i32
        %sub3A_141 = arith.subi %div3A, %sub3A : i32
        %select_n3A_142 = arith.select %and3A_140, %sub3A_141, %div3A : i32
        %jit3A_143 = arith.constant 8 : i32
        %eq3A_144 = arith.constant 0 : i32
        %eq3A_145 = arith.cmpi eq, %jit3A_143, %eq3A_144 : i32
        %jit3A_146 = arith.constant 1 : i32
        %select_n3A_147 = arith.select %eq3A_145, %jit3A_146, %jit3A_143 : i32
        %rem3A_148 = arith.remsi %scan3A_98, %select_n3A_147 : i32
        %ne3A_149 = arith.constant 0 : i32
        %ne3A_150 = arith.cmpi ne, %rem3A_148, %ne3A_149 : i32
        %lt3A = arith.constant 0 : i32
        %lt3A_151 = arith.cmpi slt, %rem3A_148, %lt3A : i32
        %lt3A_152 = arith.constant 0 : i32
        %lt3A_153 = arith.cmpi slt, %select_n3A_147, %lt3A_152 : i32
        %ne3A_154 = arith.xori %lt3A_151, %lt3A_153 : i1
        %and3A_155 = arith.andi %ne3A_154, %ne3A_150 : i1
        %add3A_156 = arith.addi %rem3A_148, %select_n3A_147 : i32
        %select_n3A_157 = arith.select %and3A_155, %add3A_156, %rem3A_148 : i32
        %mul3A_158 = arith.constant 16 : i32
        %mul3A_159 = arith.muli %select_n3A_157, %mul3A_158 : i32
        %swap3A = arith.index_cast %select_n3A_142 : i32 to index
        %swap3A_160 = arith.index_cast %mul3A_159 : i32 to index
        %swap3A_161 = tpu.vector_load %arg10[%swap3A, %swap3A_160] {strides = array<i32>} : memref<28x128xi32, #tpu.memory_space<vmem>>, vector<1x16xi32>,
        %swap3A_162 = vector.shape_cast %swap3A_161 : vector<1x16xi32> to vector<16xi32>
        %swap3A_163 = vector.shape_cast %add3A_124 : vector<16xi32> to vector<1x16xi32>
        tpu.vector_store %arg10[%swap3A, %swap3A_160], %swap3A_163 {strides = array<i32>} : memref<28x128xi32, #tpu.memory_space<vmem>>, vector<1x16xi32>,
        %jit3A_164 = arith.constant 8 : i32
        %div3A_165 = arith.divsi %scan3A_98, %jit3A_164 : i32
        %sign3A_166 = arith.constant 0 : i32
        %sign3A_167 = arith.cmpi sgt, %scan3A_98, %sign3A_166 : i32
        %sign3A_168 = arith.extui %sign3A_167 : i1 to i32
        %sign3A_169 = arith.constant 0 : i32
        %sign3A_170 = arith.cmpi slt, %scan3A_98, %sign3A_169 : i32
        %sign3A_171 = arith.extui %sign3A_170 : i1 to i32
        %sign3A_172 = arith.subi %sign3A_168, %sign3A_171 : i32
        %sign3A_173 = arith.constant 0 : i32
        %sign3A_174 = arith.cmpi sgt, %jit3A_164, %sign3A_173 : i32
        %sign3A_175 = arith.extui %sign3A_174 : i1 to i32
        %sign3A_176 = arith.constant 0 : i32
        %sign3A_177 = arith.cmpi slt, %jit3A_164, %sign3A_176 : i32
        %sign3A_178 = arith.extui %sign3A_177 : i1 to i32
        %sign3A_179 = arith.subi %sign3A_175, %sign3A_178 : i32
        %ne3A_180 = arith.cmpi ne, %sign3A_172, %sign3A_179 : i32
        %rem3A_181 = arith.remsi %scan3A_98, %jit3A_164 : i32
        %ne3A_182 = arith.constant 0 : i32
        %ne3A_183 = arith.cmpi ne, %rem3A_181, %ne3A_182 : i32
        %and3A_184 = arith.andi %ne3A_180, %ne3A_183 : i1
        %sub3A_185 = arith.constant 1 : i32
        %sub3A_186 = arith.subi %div3A_165, %sub3A_185 : i32
        %select_n3A_187 = arith.select %and3A_184, %sub3A_186, %div3A_165 : i32
        %jit3A_188 = arith.constant 8 : i32
        %eq3A_189 = arith.constant 0 : i32
        %eq3A_190 = arith.cmpi eq, %jit3A_188, %eq3A_189 : i32
        %jit3A_191 = arith.constant 1 : i32
        %select_n3A_192 = arith.select %eq3A_190, %jit3A_191, %jit3A_188 : i32
        %rem3A_193 = arith.remsi %scan3A_98, %select_n3A_192 : i32
        %ne3A_194 = arith.constant 0 : i32
        %ne3A_195 = arith.cmpi ne, %rem3A_193, %ne3A_194 : i32
        %lt3A_196 = arith.constant 0 : i32
        %lt3A_197 = arith.cmpi slt, %rem3A_193, %lt3A_196 : i32
        %lt3A_198 = arith.constant 0 : i32
        %lt3A_199 = arith.cmpi slt, %select_n3A_192, %lt3A_198 : i32
        %ne3A_200 = arith.xori %lt3A_197, %lt3A_199 : i1
        %and3A_201 = arith.andi %ne3A_200, %ne3A_195 : i1
        %add3A_202 = arith.addi %rem3A_193, %select_n3A_192 : i32
        %select_n3A_203 = arith.select %and3A_201, %add3A_202, %rem3A_193 : i32
        %mul3A_204 = arith.constant 16 : i32
        %mul3A_205 = arith.muli %select_n3A_203, %mul3A_204 : i32
        %swap3A_206 = arith.index_cast %select_n3A_187 : i32 to index
        %swap3A_207 = arith.index_cast %mul3A_205 : i32 to index
        %swap3A_208 = tpu.vector_load %arg11[%swap3A_206, %swap3A_207] {strides = array<i32>} : memref<28x128xi32, #tpu.memory_space<vmem>>, vector<1x16xi32>,
        %swap3A_209 = vector.shape_cast %swap3A_208 : vector<1x16xi32> to vector<16xi32>
        %swap3A_210 = vector.shape_cast %get3A_112 : vector<16xi32> to vector<1x16xi32>
        tpu.vector_store %arg11[%swap3A_206, %swap3A_207], %swap3A_210 {strides = array<i32>} : memref<28x128xi32, #tpu.memory_space<vmem>>, vector<1x16xi32>,
      }
      %scan3A_37 = arith.constant 224 : i32
      %dma_start3A = arith.constant 0 : i32
      %dma_start3A_38 = arith.constant 0 : i32
      %dma_start3A_39 = tpu.memref_slice %arg10[%dma_start3A, %dma_start3A_38] : memref<28x128xi32, #tpu.memory_space<vmem>> -> memref<1x128xi32, #tpu.memory_space<vmem>>
      %dma_start3A_40 = tpu.memref_squeeze %dma_start3A_39 : memref<1x128xi32, #tpu.memory_space<vmem>> -> memref<128xi32, #tpu.memory_space<vmem>>
      %dma_start3A_41 = arith.constant 0 : i32
      %dma_start3A_42 = arith.constant 0 : i32
      %dma_start3A_43 = tpu.memref_slice %arg2[%dma_start3A_41, %dma_start3A_42] : memref<800000x16xf32, #tpu.memory_space<hbm>> -> memref<800000x16xf32, #tpu.memory_space<hbm>>
      tpu.enqueue_indirect_dma source(%dma_start3A_43 : memref<800000x16xf32, #tpu.memory_space<hbm>>) target(%arg12 : memref<128x16xf32, #tpu.memory_space<vmem>>) offsets(%dma_start3A_40 : memref<128xi32, #tpu.memory_space<vmem>>) semaphore(%arg17 : memref<!tpu.dma_semaphore, #tpu.memory_space<semaphore_mem>>)
      %dma_start3A_44 = arith.constant 1 : i32
      %dma_start3A_45 = arith.constant 0 : i32
      %dma_start3A_46 = tpu.memref_slice %arg10[%dma_start3A_44, %dma_start3A_45] : memref<28x128xi32, #tpu.memory_space<vmem>> -> memref<1x128xi32, #tpu.memory_space<vmem>>
      %dma_start3A_47 = tpu.memref_squeeze %dma_start3A_46 : memref<1x128xi32, #tpu.memory_space<vmem>> -> memref<128xi32, #tpu.memory_space<vmem>>
      %dma_start3A_48 = arith.constant 0 : i32
      %dma_start3A_49 = arith.constant 0 : i32
      %dma_start3A_50 = tpu.memref_slice %arg2[%dma_start3A_48, %dma_start3A_49] : memref<800000x16xf32, #tpu.memory_space<hbm>> -> memref<800000x16xf32, #tpu.memory_space<hbm>>
      tpu.enqueue_indirect_dma source(%dma_start3A_50 : memref<800000x16xf32, #tpu.memory_space<hbm>>) target(%arg13 : memref<128x16xf32, #tpu.memory_space<vmem>>) offsets(%dma_start3A_47 : memref<128xi32, #tpu.memory_space<vmem>>) semaphore(%arg18 : memref<!tpu.dma_semaphore, #tpu.memory_space<semaphore_mem>>)
      %dma_start3A_51 = arith.constant 2 : i32
      %dma_start3A_52 = arith.constant 0 : i32
      %dma_start3A_53 = tpu.memref_slice %arg10[%dma_start3A_51, %dma_start3A_52] : memref<28x128xi32, #tpu.memory_space<vmem>> -> memref<1x128xi32, #tpu.memory_space<vmem>>
      %dma_start3A_54 = tpu.memref_squeeze %dma_start3A_53 : memref<1x128xi32, #tpu.memory_space<vmem>> -> memref<128xi32, #tpu.memory_space<vmem>>
      %dma_start3A_55 = arith.constant 0 : i32
      %dma_start3A_56 = arith.constant 0 : i32
      %dma_start3A_57 = tpu.memref_slice %arg2[%dma_start3A_55, %dma_start3A_56] : memref<800000x16xf32, #tpu.memory_space<hbm>> -> memref<800000x16xf32, #tpu.memory_space<hbm>>
      tpu.enqueue_indirect_dma source(%dma_start3A_57 : memref<800000x16xf32, #tpu.memory_space<hbm>>) target(%arg14 : memref<128x16xf32, #tpu.memory_space<vmem>>) offsets(%dma_start3A_54 : memref<128xi32, #tpu.memory_space<vmem>>) semaphore(%arg19 : memref<!tpu.dma_semaphore, #tpu.memory_space<semaphore_mem>>)
      %dma_start3A_58 = arith.constant 3 : i32
      %dma_start3A_59 = arith.constant 0 : i32
      %dma_start3A_60 = tpu.memref_slice %arg10[%dma_start3A_58, %dma_start3A_59] : memref<28x128xi32, #tpu.memory_space<vmem>> -> memref<1x128xi32, #tpu.memory_space<vmem>>
      %dma_start3A_61 = tpu.memref_squeeze %dma_start3A_60 : memref<1x128xi32, #tpu.memory_space<vmem>> -> memref<128xi32, #tpu.memory_space<vmem>>
      %dma_start3A_62 = arith.constant 0 : i32
      %dma_start3A_63 = arith.constant 0 : i32
      %dma_start3A_64 = tpu.memref_slice %arg2[%dma_start3A_62, %dma_start3A_63] : memref<800000x16xf32, #tpu.memory_space<hbm>> -> memref<800000x16xf32, #tpu.memory_space<hbm>>
      tpu.enqueue_indirect_dma source(%dma_start3A_64 : memref<800000x16xf32, #tpu.memory_space<hbm>>) target(%arg15 : memref<128x16xf32, #tpu.memory_space<vmem>>) offsets(%dma_start3A_61 : memref<128xi32, #tpu.memory_space<vmem>>) semaphore(%arg20 : memref<!tpu.dma_semaphore, #tpu.memory_space<semaphore_mem>>)
      %scan3A_65 = arith.constant 0 : i32
      %scan3A_66 = arith.constant 0 : i32
      %scan3A_67 = arith.constant 7 : i32
      %scan3A_68 = arith.addi %scan3A_66, %scan3A_67 : i32
      %scan3A_69 = arith.constant 1 : i32
      scf.for %scan3A_98 = %scan3A_66 to %scan3A_68 step %scan3A_69  : i32 {
        %mul3A_99 = arith.constant 4 : i32
        %mul3A_100 = arith.muli %scan3A_98, %mul3A_99 : i32
        %add3A_101 = arith.constant 0 : i32
        %add3A_102 = arith.addi %mul3A_100, %add3A_101 : i32
        %dma_wait3A_103 = arith.constant 0 : i32
        %dma_wait3A_104 = tpu.memref_slice %arg10[%add3A_102, %dma_wait3A_103] : memref<28x128xi32, #tpu.memory_space<vmem>> -> memref<1x128xi32, #tpu.memory_space<vmem>>
        %dma_wait3A_105 = tpu.memref_squeeze %dma_wait3A_104 : memref<1x128xi32, #tpu.memory_space<vmem>> -> memref<128xi32, #tpu.memory_space<vmem>>
        %dma_wait3A_106 = arith.constant 0 : i32
        %dma_wait3A_107 = arith.constant 0 : i32
        %dma_wait3A_108 = tpu.memref_slice %arg2[%dma_wait3A_106, %dma_wait3A_107] : memref<800000x16xf32, #tpu.memory_space<hbm>> -> memref<800000x16xf32, #tpu.memory_space<hbm>>
        tpu.wait_indirect_dma semaphore(%arg17 : memref<!tpu.dma_semaphore, #tpu.memory_space<semaphore_mem>>) src(%dma_wait3A_108 : memref<800000x16xf32, #tpu.memory_space<hbm>>) dst(%arg12 : memref<128x16xf32, #tpu.memory_space<vmem>>)
        %add3A_109 = arith.constant 0 : i32
        %add3A_110 = arith.addi %mul3A_100, %add3A_109 : i32
        %dma_start3A_111 = arith.constant 0 : i32
        %dma_start3A_112 = tpu.memref_slice %arg11[%add3A_110, %dma_start3A_111] : memref<28x128xi32, #tpu.memory_space<vmem>> -> memref<1x128xi32, #tpu.memory_space<vmem>>
        %dma_start3A_113 = tpu.memref_squeeze %dma_start3A_112 : memref<1x128xi32, #tpu.memory_space<vmem>> -> memref<128xi32, #tpu.memory_space<vmem>>
        %dma_start3A_114 = arith.constant 0 : i32
        %dma_start3A_115 = arith.constant 0 : i32
        %dma_start3A_116 = tpu.memref_slice %arg16[%dma_start3A_114, %dma_start3A_115] : memref<50048x16xf32, #tpu.memory_space<vmem_shared>> -> memref<50048x16xf32, #tpu.memory_space<vmem_shared>>
        tpu.enqueue_indirect_dma source(%arg12 : memref<128x16xf32, #tpu.memory_space<vmem>>) target(%dma_start3A_116 : memref<50048x16xf32, #tpu.memory_space<vmem_shared>>) offsets(%dma_start3A_113 : memref<128xi32, #tpu.memory_space<vmem>>) semaphore(%arg21 : memref<!tpu.dma_semaphore, #tpu.memory_space<semaphore_mem>>) {add = true}
        %add3A_117 = arith.constant 1 : i32
        %add3A_118 = arith.addi %mul3A_100, %add3A_117 : i32
        %dma_wait3A_119 = arith.constant 0 : i32
        %dma_wait3A_120 = tpu.memref_slice %arg10[%add3A_118, %dma_wait3A_119] : memref<28x128xi32, #tpu.memory_space<vmem>> -> memref<1x128xi32, #tpu.memory_space<vmem>>
        %dma_wait3A_121 = tpu.memref_squeeze %dma_wait3A_120 : memref<1x128xi32, #tpu.memory_space<vmem>> -> memref<128xi32, #tpu.memory_space<vmem>>
        %dma_wait3A_122 = arith.constant 0 : i32
        %dma_wait3A_123 = arith.constant 0 : i32
        %dma_wait3A_124 = tpu.memref_slice %arg2[%dma_wait3A_122, %dma_wait3A_123] : memref<800000x16xf32, #tpu.memory_space<hbm>> -> memref<800000x16xf32, #tpu.memory_space<hbm>>
        tpu.wait_indirect_dma semaphore(%arg18 : memref<!tpu.dma_semaphore, #tpu.memory_space<semaphore_mem>>) src(%dma_wait3A_124 : memref<800000x16xf32, #tpu.memory_space<hbm>>) dst(%arg13 : memref<128x16xf32, #tpu.memory_space<vmem>>)
        %add3A_125 = arith.constant 1 : i32
        %add3A_126 = arith.addi %mul3A_100, %add3A_125 : i32
        %dma_start3A_127 = arith.constant 0 : i32
        %dma_start3A_128 = tpu.memref_slice %arg11[%add3A_126, %dma_start3A_127] : memref<28x128xi32, #tpu.memory_space<vmem>> -> memref<1x128xi32, #tpu.memory_space<vmem>>
        %dma_start3A_129 = tpu.memref_squeeze %dma_start3A_128 : memref<1x128xi32, #tpu.memory_space<vmem>> -> memref<128xi32, #tpu.memory_space<vmem>>
        %dma_start3A_130 = arith.constant 0 : i32
        %dma_start3A_131 = arith.constant 0 : i32
        %dma_start3A_132 = tpu.memref_slice %arg16[%dma_start3A_130, %dma_start3A_131] : memref<50048x16xf32, #tpu.memory_space<vmem_shared>> -> memref<50048x16xf32, #tpu.memory_space<vmem_shared>>
        tpu.enqueue_indirect_dma source(%arg13 : memref<128x16xf32, #tpu.memory_space<vmem>>) target(%dma_start3A_132 : memref<50048x16xf32, #tpu.memory_space<vmem_shared>>) offsets(%dma_start3A_129 : memref<128xi32, #tpu.memory_space<vmem>>) semaphore(%arg22 : memref<!tpu.dma_semaphore, #tpu.memory_space<semaphore_mem>>) {add = true}
        %add3A_133 = arith.constant 2 : i32
        %add3A_134 = arith.addi %mul3A_100, %add3A_133 : i32
        %dma_wait3A_135 = arith.constant 0 : i32
        %dma_wait3A_136 = tpu.memref_slice %arg10[%add3A_134, %dma_wait3A_135] : memref<28x128xi32, #tpu.memory_space<vmem>> -> memref<1x128xi32, #tpu.memory_space<vmem>>
        %dma_wait3A_137 = tpu.memref_squeeze %dma_wait3A_136 : memref<1x128xi32, #tpu.memory_space<vmem>> -> memref<128xi32, #tpu.memory_space<vmem>>
        %dma_wait3A_138 = arith.constant 0 : i32
        %dma_wait3A_139 = arith.constant 0 : i32
        %dma_wait3A_140 = tpu.memref_slice %arg2[%dma_wait3A_138, %dma_wait3A_139] : memref<800000x16xf32, #tpu.memory_space<hbm>> -> memref<800000x16xf32, #tpu.memory_space<hbm>>
        tpu.wait_indirect_dma semaphore(%arg19 : memref<!tpu.dma_semaphore, #tpu.memory_space<semaphore_mem>>) src(%dma_wait3A_140 : memref<800000x16xf32, #tpu.memory_space<hbm>>) dst(%arg14 : memref<128x16xf32, #tpu.memory_space<vmem>>)
        %add3A_141 = arith.constant 2 : i32
        %add3A_142 = arith.addi %mul3A_100, %add3A_141 : i32
        %dma_start3A_143 = arith.constant 0 : i32
        %dma_start3A_144 = tpu.memref_slice %arg11[%add3A_142, %dma_start3A_143] : memref<28x128xi32, #tpu.memory_space<vmem>> -> memref<1x128xi32, #tpu.memory_space<vmem>>
        %dma_start3A_145 = tpu.memref_squeeze %dma_start3A_144 : memref<1x128xi32, #tpu.memory_space<vmem>> -> memref<128xi32, #tpu.memory_space<vmem>>
        %dma_start3A_146 = arith.constant 0 : i32
        %dma_start3A_147 = arith.constant 0 : i32
        %dma_start3A_148 = tpu.memref_slice %arg16[%dma_start3A_146, %dma_start3A_147] : memref<50048x16xf32, #tpu.memory_space<vmem_shared>> -> memref<50048x16xf32, #tpu.memory_space<vmem_shared>>
        tpu.enqueue_indirect_dma source(%arg14 : memref<128x16xf32, #tpu.memory_space<vmem>>) target(%dma_start3A_148 : memref<50048x16xf32, #tpu.memory_space<vmem_shared>>) offsets(%dma_start3A_145 : memref<128xi32, #tpu.memory_space<vmem>>) semaphore(%arg23 : memref<!tpu.dma_semaphore, #tpu.memory_space<semaphore_mem>>) {add = true}
        %add3A_149 = arith.constant 3 : i32
        %add3A_150 = arith.addi %mul3A_100, %add3A_149 : i32
        %dma_wait3A_151 = arith.constant 0 : i32
        %dma_wait3A_152 = tpu.memref_slice %arg10[%add3A_150, %dma_wait3A_151] : memref<28x128xi32, #tpu.memory_space<vmem>> -> memref<1x128xi32, #tpu.memory_space<vmem>>
        %dma_wait3A_153 = tpu.memref_squeeze %dma_wait3A_152 : memref<1x128xi32, #tpu.memory_space<vmem>> -> memref<128xi32, #tpu.memory_space<vmem>>
        %dma_wait3A_154 = arith.constant 0 : i32
        %dma_wait3A_155 = arith.constant 0 : i32
        %dma_wait3A_156 = tpu.memref_slice %arg2[%dma_wait3A_154, %dma_wait3A_155] : memref<800000x16xf32, #tpu.memory_space<hbm>> -> memref<800000x16xf32, #tpu.memory_space<hbm>>
        tpu.wait_indirect_dma semaphore(%arg20 : memref<!tpu.dma_semaphore, #tpu.memory_space<semaphore_mem>>) src(%dma_wait3A_156 : memref<800000x16xf32, #tpu.memory_space<hbm>>) dst(%arg15 : memref<128x16xf32, #tpu.memory_space<vmem>>)
        %add3A_157 = arith.constant 3 : i32
        %add3A_158 = arith.addi %mul3A_100, %add3A_157 : i32
        %dma_start3A_159 = arith.constant 0 : i32
        %dma_start3A_160 = tpu.memref_slice %arg11[%add3A_158, %dma_start3A_159] : memref<28x128xi32, #tpu.memory_space<vmem>> -> memref<1x128xi32, #tpu.memory_space<vmem>>
        %dma_start3A_161 = tpu.memref_squeeze %dma_start3A_160 : memref<1x128xi32, #tpu.memory_space<vmem>> -> memref<128xi32, #tpu.memory_space<vmem>>
        %dma_start3A_162 = arith.constant 0 : i32
        %dma_start3A_163 = arith.constant 0 : i32
        %dma_start3A_164 = tpu.memref_slice %arg16[%dma_start3A_162, %dma_start3A_163] : memref<50048x16xf32, #tpu.memory_space<vmem_shared>> -> memref<50048x16xf32, #tpu.memory_space<vmem_shared>>
        tpu.enqueue_indirect_dma source(%arg15 : memref<128x16xf32, #tpu.memory_space<vmem>>) target(%dma_start3A_164 : memref<50048x16xf32, #tpu.memory_space<vmem_shared>>) offsets(%dma_start3A_161 : memref<128xi32, #tpu.memory_space<vmem>>) semaphore(%arg24 : memref<!tpu.dma_semaphore, #tpu.memory_space<semaphore_mem>>) {add = true}
        %lt3A = arith.constant 6 : i32
        %lt3A_165 = arith.cmpi slt, %scan3A_98, %lt3A : i32
        %convert_element_type3A = arith.extui %lt3A_165 : i1 to i32
        %cond3A = arith.constant 0 : i32
        %cond3A_166 = arith.cmpi ne, %convert_element_type3A, %cond3A : i32
        scf.if %cond3A_166 {
          %add3A_167 = arith.constant 0 : i32
          %add3A_168 = arith.addi %mul3A_100, %add3A_167 : i32
          %dma_wait3A_169 = arith.constant 0 : i32
          %dma_wait3A_170 = tpu.memref_slice %arg11[%add3A_168, %dma_wait3A_169] : memref<28x128xi32, #tpu.memory_space<vmem>> -> memref<1x128xi32, #tpu.memory_space<vmem>>
          %dma_wait3A_171 = tpu.memref_squeeze %dma_wait3A_170 : memref<1x128xi32, #tpu.memory_space<vmem>> -> memref<128xi32, #tpu.memory_space<vmem>>
          %dma_wait3A_172 = arith.constant 0 : i32
          %dma_wait3A_173 = arith.constant 0 : i32
          %dma_wait3A_174 = tpu.memref_slice %arg16[%dma_wait3A_172, %dma_wait3A_173] : memref<50048x16xf32, #tpu.memory_space<vmem_shared>> -> memref<50048x16xf32, #tpu.memory_space<vmem_shared>>
          tpu.wait_indirect_dma semaphore(%arg21 : memref<!tpu.dma_semaphore, #tpu.memory_space<semaphore_mem>>) src(%arg12 : memref<128x16xf32, #tpu.memory_space<vmem>>) dst(%dma_wait3A_174 : memref<50048x16xf32, #tpu.memory_space<vmem_shared>>)
          %add3A_175 = arith.constant 4 : i32
          %add3A_176 = arith.addi %mul3A_100, %add3A_175 : i32
          %add3A_177 = arith.constant 0 : i32
          %add3A_178 = arith.addi %add3A_176, %add3A_177 : i32
          %dma_start3A_179 = arith.constant 0 : i32
          %dma_start3A_180 = tpu.memref_slice %arg10[%add3A_178, %dma_start3A_179] : memref<28x128xi32, #tpu.memory_space<vmem>> -> memref<1x128xi32, #tpu.memory_space<vmem>>
          %dma_start3A_181 = tpu.memref_squeeze %dma_start3A_180 : memref<1x128xi32, #tpu.memory_space<vmem>> -> memref<128xi32, #tpu.memory_space<vmem>>
          %dma_start3A_182 = arith.constant 0 : i32
          %dma_start3A_183 = arith.constant 0 : i32
          %dma_start3A_184 = tpu.memref_slice %arg2[%dma_start3A_182, %dma_start3A_183] : memref<800000x16xf32, #tpu.memory_space<hbm>> -> memref<800000x16xf32, #tpu.memory_space<hbm>>
          tpu.enqueue_indirect_dma source(%dma_start3A_184 : memref<800000x16xf32, #tpu.memory_space<hbm>>) target(%arg12 : memref<128x16xf32, #tpu.memory_space<vmem>>) offsets(%dma_start3A_181 : memref<128xi32, #tpu.memory_space<vmem>>) semaphore(%arg17 : memref<!tpu.dma_semaphore, #tpu.memory_space<semaphore_mem>>)
          %add3A_185 = arith.constant 1 : i32
          %add3A_186 = arith.addi %mul3A_100, %add3A_185 : i32
          %dma_wait3A_187 = arith.constant 0 : i32
          %dma_wait3A_188 = tpu.memref_slice %arg11[%add3A_186, %dma_wait3A_187] : memref<28x128xi32, #tpu.memory_space<vmem>> -> memref<1x128xi32, #tpu.memory_space<vmem>>
          %dma_wait3A_189 = tpu.memref_squeeze %dma_wait3A_188 : memref<1x128xi32, #tpu.memory_space<vmem>> -> memref<128xi32, #tpu.memory_space<vmem>>
          %dma_wait3A_190 = arith.constant 0 : i32
          %dma_wait3A_191 = arith.constant 0 : i32
          %dma_wait3A_192 = tpu.memref_slice %arg16[%dma_wait3A_190, %dma_wait3A_191] : memref<50048x16xf32, #tpu.memory_space<vmem_shared>> -> memref<50048x16xf32, #tpu.memory_space<vmem_shared>>
          tpu.wait_indirect_dma semaphore(%arg22 : memref<!tpu.dma_semaphore, #tpu.memory_space<semaphore_mem>>) src(%arg13 : memref<128x16xf32, #tpu.memory_space<vmem>>) dst(%dma_wait3A_192 : memref<50048x16xf32, #tpu.memory_space<vmem_shared>>)
          %add3A_193 = arith.constant 4 : i32
          %add3A_194 = arith.addi %mul3A_100, %add3A_193 : i32
          %add3A_195 = arith.constant 1 : i32
          %add3A_196 = arith.addi %add3A_194, %add3A_195 : i32
          %dma_start3A_197 = arith.constant 0 : i32
          %dma_start3A_198 = tpu.memref_slice %arg10[%add3A_196, %dma_start3A_197] : memref<28x128xi32, #tpu.memory_space<vmem>> -> memref<1x128xi32, #tpu.memory_space<vmem>>
          %dma_start3A_199 = tpu.memref_squeeze %dma_start3A_198 : memref<1x128xi32, #tpu.memory_space<vmem>> -> memref<128xi32, #tpu.memory_space<vmem>>
          %dma_start3A_200 = arith.constant 0 : i32
          %dma_start3A_201 = arith.constant 0 : i32
          %dma_start3A_202 = tpu.memref_slice %arg2[%dma_start3A_200, %dma_start3A_201] : memref<800000x16xf32, #tpu.memory_space<hbm>> -> memref<800000x16xf32, #tpu.memory_space<hbm>>
          tpu.enqueue_indirect_dma source(%dma_start3A_202 : memref<800000x16xf32, #tpu.memory_space<hbm>>) target(%arg13 : memref<128x16xf32, #tpu.memory_space<vmem>>) offsets(%dma_start3A_199 : memref<128xi32, #tpu.memory_space<vmem>>) semaphore(%arg18 : memref<!tpu.dma_semaphore, #tpu.memory_space<semaphore_mem>>)
          %add3A_203 = arith.constant 2 : i32
          %add3A_204 = arith.addi %mul3A_100, %add3A_203 : i32
          %dma_wait3A_205 = arith.constant 0 : i32
          %dma_wait3A_206 = tpu.memref_slice %arg11[%add3A_204, %dma_wait3A_205] : memref<28x128xi32, #tpu.memory_space<vmem>> -> memref<1x128xi32, #tpu.memory_space<vmem>>
          %dma_wait3A_207 = tpu.memref_squeeze %dma_wait3A_206 : memref<1x128xi32, #tpu.memory_space<vmem>> -> memref<128xi32, #tpu.memory_space<vmem>>
          %dma_wait3A_208 = arith.constant 0 : i32
          %dma_wait3A_209 = arith.constant 0 : i32
          %dma_wait3A_210 = tpu.memref_slice %arg16[%dma_wait3A_208, %dma_wait3A_209] : memref<50048x16xf32, #tpu.memory_space<vmem_shared>> -> memref<50048x16xf32, #tpu.memory_space<vmem_shared>>
          tpu.wait_indirect_dma semaphore(%arg23 : memref<!tpu.dma_semaphore, #tpu.memory_space<semaphore_mem>>) src(%arg14 : memref<128x16xf32, #tpu.memory_space<vmem>>) dst(%dma_wait3A_210 : memref<50048x16xf32, #tpu.memory_space<vmem_shared>>)
          %add3A_211 = arith.constant 4 : i32
          %add3A_212 = arith.addi %mul3A_100, %add3A_211 : i32
          %add3A_213 = arith.constant 2 : i32
          %add3A_214 = arith.addi %add3A_212, %add3A_213 : i32
          %dma_start3A_215 = arith.constant 0 : i32
          %dma_start3A_216 = tpu.memref_slice %arg10[%add3A_214, %dma_start3A_215] : memref<28x128xi32, #tpu.memory_space<vmem>> -> memref<1x128xi32, #tpu.memory_space<vmem>>
          %dma_start3A_217 = tpu.memref_squeeze %dma_start3A_216 : memref<1x128xi32, #tpu.memory_space<vmem>> -> memref<128xi32, #tpu.memory_space<vmem>>
          %dma_start3A_218 = arith.constant 0 : i32
          %dma_start3A_219 = arith.constant 0 : i32
          %dma_start3A_220 = tpu.memref_slice %arg2[%dma_start3A_218, %dma_start3A_219] : memref<800000x16xf32, #tpu.memory_space<hbm>> -> memref<800000x16xf32, #tpu.memory_space<hbm>>
          tpu.enqueue_indirect_dma source(%dma_start3A_220 : memref<800000x16xf32, #tpu.memory_space<hbm>>) target(%arg14 : memref<128x16xf32, #tpu.memory_space<vmem>>) offsets(%dma_start3A_217 : memref<128xi32, #tpu.memory_space<vmem>>) semaphore(%arg19 : memref<!tpu.dma_semaphore, #tpu.memory_space<semaphore_mem>>)
          %add3A_221 = arith.constant 3 : i32
          %add3A_222 = arith.addi %mul3A_100, %add3A_221 : i32
          %dma_wait3A_223 = arith.constant 0 : i32
          %dma_wait3A_224 = tpu.memref_slice %arg11[%add3A_222, %dma_wait3A_223] : memref<28x128xi32, #tpu.memory_space<vmem>> -> memref<1x128xi32, #tpu.memory_space<vmem>>
          %dma_wait3A_225 = tpu.memref_squeeze %dma_wait3A_224 : memref<1x128xi32, #tpu.memory_space<vmem>> -> memref<128xi32, #tpu.memory_space<vmem>>
          %dma_wait3A_226 = arith.constant 0 : i32
          %dma_wait3A_227 = arith.constant 0 : i32
          %dma_wait3A_228 = tpu.memref_slice %arg16[%dma_wait3A_226, %dma_wait3A_227] : memref<50048x16xf32, #tpu.memory_space<vmem_shared>> -> memref<50048x16xf32, #tpu.memory_space<vmem_shared>>
          tpu.wait_indirect_dma semaphore(%arg24 : memref<!tpu.dma_semaphore, #tpu.memory_space<semaphore_mem>>) src(%arg15 : memref<128x16xf32, #tpu.memory_space<vmem>>) dst(%dma_wait3A_228 : memref<50048x16xf32, #tpu.memory_space<vmem_shared>>)
          %add3A_229 = arith.constant 4 : i32
          %add3A_230 = arith.addi %mul3A_100, %add3A_229 : i32
          %add3A_231 = arith.constant 3 : i32
          %add3A_232 = arith.addi %add3A_230, %add3A_231 : i32
          %dma_start3A_233 = arith.constant 0 : i32
          %dma_start3A_234 = tpu.memref_slice %arg10[%add3A_232, %dma_start3A_233] : memref<28x128xi32, #tpu.memory_space<vmem>> -> memref<1x128xi32, #tpu.memory_space<vmem>>
          %dma_start3A_235 = tpu.memref_squeeze %dma_start3A_234 : memref<1x128xi32, #tpu.memory_space<vmem>> -> memref<128xi32, #tpu.memory_space<vmem>>
          %dma_start3A_236 = arith.constant 0 : i32
          %dma_start3A_237 = arith.constant 0 : i32
          %dma_start3A_238 = tpu.memref_slice %arg2[%dma_start3A_236, %dma_start3A_237] : memref<800000x16xf32, #tpu.memory_space<hbm>> -> memref<800000x16xf32, #tpu.memory_space<hbm>>
          tpu.enqueue_indirect_dma source(%dma_start3A_238 : memref<800000x16xf32, #tpu.memory_space<hbm>>) target(%arg15 : memref<128x16xf32, #tpu.memory_space<vmem>>) offsets(%dma_start3A_235 : memref<128xi32, #tpu.memory_space<vmem>>) semaphore(%arg20 : memref<!tpu.dma_semaphore, #tpu.memory_space<semaphore_mem>>)
        } else {
        }
      }
      %scan3A_70 = arith.constant 7 : i32
      %dma_wait3A = arith.constant 24 : i32
      %dma_wait3A_71 = arith.constant 0 : i32
      %dma_wait3A_72 = tpu.memref_slice %arg11[%dma_wait3A, %dma_wait3A_71] : memref<28x128xi32, #tpu.memory_space<vmem>> -> memref<1x128xi32, #tpu.memory_space<vmem>>
      %dma_wait3A_73 = tpu.memref_squeeze %dma_wait3A_72 : memref<1x128xi32, #tpu.memory_space<vmem>> -> memref<128xi32, #tpu.memory_space<vmem>>
      %dma_wait3A_74 = arith.constant 0 : i32
      %dma_wait3A_75 = arith.constant 0 : i32
      %dma_wait3A_76 = tpu.memref_slice %arg16[%dma_wait3A_74, %dma_wait3A_75] : memref<50048x16xf32, #tpu.memory_space<vmem_shared>> -> memref<50048x16xf32, #tpu.memory_space<vmem_shared>>
      tpu.wait_indirect_dma semaphore(%arg21 : memref<!tpu.dma_semaphore, #tpu.memory_space<semaphore_mem>>) src(%arg12 : memref<128x16xf32, #tpu.memory_space<vmem>>) dst(%dma_wait3A_76 : memref<50048x16xf32, #tpu.memory_space<vmem_shared>>)
      %dma_wait3A_77 = arith.constant 25 : i32
      %dma_wait3A_78 = arith.constant 0 : i32
      %dma_wait3A_79 = tpu.memref_slice %arg11[%dma_wait3A_77, %dma_wait3A_78] : memref<28x128xi32, #tpu.memory_space<vmem>> -> memref<1x128xi32, #tpu.memory_space<vmem>>
      %dma_wait3A_80 = tpu.memref_squeeze %dma_wait3A_79 : memref<1x128xi32, #tpu.memory_space<vmem>> -> memref<128xi32, #tpu.memory_space<vmem>>
      %dma_wait3A_81 = arith.constant 0 : i32
      %dma_wait3A_82 = arith.constant 0 : i32
      %dma_wait3A_83 = tpu.memref_slice %arg16[%dma_wait3A_81, %dma_wait3A_82] : memref<50048x16xf32, #tpu.memory_space<vmem_shared>> -> memref<50048x16xf32, #tpu.memory_space<vmem_shared>>
      tpu.wait_indirect_dma semaphore(%arg22 : memref<!tpu.dma_semaphore, #tpu.memory_space<semaphore_mem>>) src(%arg13 : memref<128x16xf32, #tpu.memory_space<vmem>>) dst(%dma_wait3A_83 : memref<50048x16xf32, #tpu.memory_space<vmem_shared>>)
      %dma_wait3A_84 = arith.constant 26 : i32
      %dma_wait3A_85 = arith.constant 0 : i32
      %dma_wait3A_86 = tpu.memref_slice %arg11[%dma_wait3A_84, %dma_wait3A_85] : memref<28x128xi32, #tpu.memory_space<vmem>> -> memref<1x128xi32, #tpu.memory_space<vmem>>
      %dma_wait3A_87 = tpu.memref_squeeze %dma_wait3A_86 : memref<1x128xi32, #tpu.memory_space<vmem>> -> memref<128xi32, #tpu.memory_space<vmem>>
      %dma_wait3A_88 = arith.constant 0 : i32
      %dma_wait3A_89 = arith.constant 0 : i32
      %dma_wait3A_90 = tpu.memref_slice %arg16[%dma_wait3A_88, %dma_wait3A_89] : memref<50048x16xf32, #tpu.memory_space<vmem_shared>> -> memref<50048x16xf32, #tpu.memory_space<vmem_shared>>
      tpu.wait_indirect_dma semaphore(%arg23 : memref<!tpu.dma_semaphore, #tpu.memory_space<semaphore_mem>>) src(%arg14 : memref<128x16xf32, #tpu.memory_space<vmem>>) dst(%dma_wait3A_90 : memref<50048x16xf32, #tpu.memory_space<vmem_shared>>)
      %dma_wait3A_91 = arith.constant 27 : i32
      %dma_wait3A_92 = arith.constant 0 : i32
      %dma_wait3A_93 = tpu.memref_slice %arg11[%dma_wait3A_91, %dma_wait3A_92] : memref<28x128xi32, #tpu.memory_space<vmem>> -> memref<1x128xi32, #tpu.memory_space<vmem>>
      %dma_wait3A_94 = tpu.memref_squeeze %dma_wait3A_93 : memref<1x128xi32, #tpu.memory_space<vmem>> -> memref<128xi32, #tpu.memory_space<vmem>>
      %dma_wait3A_95 = arith.constant 0 : i32
      %dma_wait3A_96 = arith.constant 0 : i32
      %dma_wait3A_97 = tpu.memref_slice %arg16[%dma_wait3A_95, %dma_wait3A_96] : memref<50048x16xf32, #tpu.memory_space<vmem_shared>> -> memref<50048x16xf32, #tpu.memory_space<vmem_shared>>
      tpu.wait_indirect_dma semaphore(%arg24 : memref<!tpu.dma_semaphore, #tpu.memory_space<semaphore_mem>>) src(%arg15 : memref<128x16xf32, #tpu.memory_space<vmem>>) dst(%dma_wait3A_97 : memref<50048x16xf32, #tpu.memory_space<vmem_shared>>)
    }
    %while3A_22 = arith.constant 1 : i32
    scf.for %while3A_28 = %while3A_20 to %while3A_16 step %while3A_22  : i32 {
      %mul3A_29 = arith.constant 3584 : i32
      %mul3A_30 = arith.muli %while3A_28, %mul3A_29 : i32
      %add3A_31 = arith.addi %select_n3A, %mul3A_30 : i32
      %run_scoped3A = arith.constant 0 : i32
      "tpu.region"() ({
        %run_scoped3A_98 = tpu.sem_alloc : memref<!tpu.dma_semaphore, #tpu.memory_space<semaphore_mem>>
        %dma_start3A_99 = tpu.memref_slice %arg3[%run_scoped3A, %add3A_31] : memref<2x802816xi32, #tpu.memory_space<hbm>> -> memref<1x3584xi32, #tpu.memory_space<hbm>>
        %dma_start3A_100 = tpu.memref_squeeze %dma_start3A_99 : memref<1x3584xi32, #tpu.memory_space<hbm>> -> memref<3584xi32, #tpu.memory_space<hbm>>
        %dma_start3A_101 = tpu.memref_slice %arg3[%run_scoped3A, %add3A_31] : memref<2x802816xi32, #tpu.memory_space<hbm>> -> memref<1x3584xi32, #tpu.memory_space<hbm>>
        %dma_start3A_102 = tpu.memref_squeeze %dma_start3A_101 : memref<1x3584xi32, #tpu.memory_space<hbm>> -> memref<3584xi32, #tpu.memory_space<hbm>>
        tpu.enqueue_dma source(%dma_start3A_102 : memref<3584xi32, #tpu.memory_space<hbm>>) target(%arg7 : memref<3584xi32, #tpu.memory_space<vmem>>) target_semaphore(%run_scoped3A_98 : memref<!tpu.dma_semaphore, #tpu.memory_space<semaphore_mem>>)
        %dma_wait3A_103 = tpu.memref_slice %arg3[%run_scoped3A, %add3A_31] : memref<2x802816xi32, #tpu.memory_space<hbm>> -> memref<1x3584xi32, #tpu.memory_space<hbm>>
        %dma_wait3A_104 = tpu.memref_squeeze %dma_wait3A_103 : memref<1x3584xi32, #tpu.memory_space<hbm>> -> memref<3584xi32, #tpu.memory_space<hbm>>
        %dma_wait3A_105 = tpu.memref_slice %arg3[%run_scoped3A, %add3A_31] : memref<2x802816xi32, #tpu.memory_space<hbm>> -> memref<1x3584xi32, #tpu.memory_space<hbm>>
        %dma_wait3A_106 = tpu.memref_squeeze %dma_wait3A_105 : memref<1x3584xi32, #tpu.memory_space<hbm>> -> memref<3584xi32, #tpu.memory_space<hbm>>
        tpu.wait_dma2 semaphore(%run_scoped3A_98 : memref<!tpu.dma_semaphore, #tpu.memory_space<semaphore_mem>>) src(%dma_wait3A_106 : memref<3584xi32, #tpu.memory_space<hbm>>) dst(%arg7 : memref<3584xi32, #tpu.memory_space<vmem>>)
        tpu.yield
      }) : () -> ()
      %run_scoped3A_32 = arith.constant 1 : i32
      "tpu.region"() ({
        %run_scoped3A_98 = tpu.sem_alloc : memref<!tpu.dma_semaphore, #tpu.memory_space<semaphore_mem>>
        %dma_start3A_99 = tpu.memref_slice %arg3[%run_scoped3A_32, %add3A_31] : memref<2x802816xi32, #tpu.memory_space<hbm>> -> memref<1x3584xi32, #tpu.memory_space<hbm>>
        %dma_start3A_100 = tpu.memref_squeeze %dma_start3A_99 : memref<1x3584xi32, #tpu.memory_space<hbm>> -> memref<3584xi32, #tpu.memory_space<hbm>>
        %dma_start3A_101 = tpu.memref_slice %arg3[%run_scoped3A_32, %add3A_31] : memref<2x802816xi32, #tpu.memory_space<hbm>> -> memref<1x3584xi32, #tpu.memory_space<hbm>>
        %dma_start3A_102 = tpu.memref_squeeze %dma_start3A_101 : memref<1x3584xi32, #tpu.memory_space<hbm>> -> memref<3584xi32, #tpu.memory_space<hbm>>
        tpu.enqueue_dma source(%dma_start3A_102 : memref<3584xi32, #tpu.memory_space<hbm>>) target(%arg9 : memref<3584xi32, #tpu.memory_space<vmem>>) target_semaphore(%run_scoped3A_98 : memref<!tpu.dma_semaphore, #tpu.memory_space<semaphore_mem>>)
        %dma_wait3A_103 = tpu.memref_slice %arg3[%run_scoped3A_32, %add3A_31] : memref<2x802816xi32, #tpu.memory_space<hbm>> -> memref<1x3584xi32, #tpu.memory_space<hbm>>
        %dma_wait3A_104 = tpu.memref_squeeze %dma_wait3A_103 : memref<1x3584xi32, #tpu.memory_space<hbm>> -> memref<3584xi32, #tpu.memory_space<hbm>>
        %dma_wait3A_105 = tpu.memref_slice %arg3[%run_scoped3A_32, %add3A_31] : memref<2x802816xi32, #tpu.memory_space<hbm>> -> memref<1x3584xi32, #tpu.memory_space<hbm>>
        %dma_wait3A_106 = tpu.memref_squeeze %dma_wait3A_105 : memref<1x3584xi32, #tpu.memory_space<hbm>> -> memref<3584xi32, #tpu.memory_space<hbm>>
        tpu.wait_dma2 semaphore(%run_scoped3A_98 : memref<!tpu.dma_semaphore, #tpu.memory_space<semaphore_mem>>) src(%dma_wait3A_106 : memref<3584xi32, #tpu.memory_space<hbm>>) dst(%arg9 : memref<3584xi32, #tpu.memory_space<vmem>>)
        tpu.yield
      }) : () -> ()
      "tpu.region"() ({
        %run_scoped3A_98 = tpu.sem_alloc : memref<!tpu.dma_semaphore, #tpu.memory_space<semaphore_mem>>
        %dma_start3A_99 = tpu.memref_slice %arg4[%add3A_31] : memref<802816xi32, #tpu.memory_space<hbm>> -> memref<3584xi32, #tpu.memory_space<hbm>>
        %dma_start3A_100 = tpu.memref_slice %arg4[%add3A_31] : memref<802816xi32, #tpu.memory_space<hbm>> -> memref<3584xi32, #tpu.memory_space<hbm>>
        tpu.enqueue_dma source(%dma_start3A_100 : memref<3584xi32, #tpu.memory_space<hbm>>) target(%arg8 : memref<3584xi32, #tpu.memory_space<vmem>>) target_semaphore(%run_scoped3A_98 : memref<!tpu.dma_semaphore, #tpu.memory_space<semaphore_mem>>)
        %dma_wait3A_101 = tpu.memref_slice %arg4[%add3A_31] : memref<802816xi32, #tpu.memory_space<hbm>> -> memref<3584xi32, #tpu.memory_space<hbm>>
        %dma_wait3A_102 = tpu.memref_slice %arg4[%add3A_31] : memref<802816xi32, #tpu.memory_space<hbm>> -> memref<3584xi32, #tpu.memory_space<hbm>>
        tpu.wait_dma2 semaphore(%run_scoped3A_98 : memref<!tpu.dma_semaphore, #tpu.memory_space<semaphore_mem>>) src(%dma_wait3A_102 : memref<3584xi32, #tpu.memory_space<hbm>>) dst(%arg8 : memref<3584xi32, #tpu.memory_space<vmem>>)
        tpu.yield
      }) : () -> ()
      %scan3A = arith.constant 0 : i32
      %scan3A_33 = arith.constant 0 : i32
      %scan3A_34 = arith.constant 224 : i32
      %scan3A_35 = arith.addi %scan3A_33, %scan3A_34 : i32
      %scan3A_36 = arith.constant 1 : i32
      scf.for %scan3A_98 = %scan3A_33 to %scan3A_35 step %scan3A_36  : i32 {
        %mul3A_99 = arith.constant 16 : i32
        %mul3A_100 = arith.muli %scan3A_98, %mul3A_99 : i32
        %get3A = arith.index_cast %mul3A_100 : i32 to index
        %get3A_101 = tpu.vector_load %arg7[%get3A] {strides = array<i32>} : memref<3584xi32, #tpu.memory_space<vmem>>, vector<16xi32>,
        %get3A_102 = vector.shape_cast %get3A_101 : vector<16xi32> to vector<16xi32>
        %mul3A_103 = arith.constant 16 : i32
        %mul3A_104 = arith.muli %scan3A_98, %mul3A_103 : i32
        %get3A_105 = arith.index_cast %mul3A_104 : i32 to index
        %get3A_106 = tpu.vector_load %arg8[%get3A_105] {strides = array<i32>} : memref<3584xi32, #tpu.memory_space<vmem>>, vector<16xi32>,
        %get3A_107 = vector.shape_cast %get3A_106 : vector<16xi32> to vector<16xi32>
        %mul3A_108 = arith.constant 16 : i32
        %mul3A_109 = arith.muli %scan3A_98, %mul3A_108 : i32
        %get3A_110 = arith.index_cast %mul3A_109 : i32 to index
        %get3A_111 = tpu.vector_load %arg9[%get3A_110] {strides = array<i32>} : memref<3584xi32, #tpu.memory_space<vmem>>, vector<16xi32>,
        %get3A_112 = vector.shape_cast %get3A_111 : vector<16xi32> to vector<16xi32>
        %mul3A_113 = arith.constant 8 : i32
        %mul3A_114 = vector.broadcast %mul3A_113 : i32 to vector<16xi32>
        %mul3A_115 = arith.muli %get3A_102, %mul3A_114 : vector<16xi32>
        %and3A = arith.constant 7 : i32
        %and3A_116 = vector.broadcast %and3A : i32 to vector<16xi32>
        %and3A_117 = arith.andi %get3A_107, %and3A_116 : vector<16xi32>
        %add3A_118 = arith.addi %mul3A_115, %and3A_117 : vector<16xi32>
        %shift_right_arithmetic3A = arith.constant 3 : i32
        %shift_right_arithmetic3A_119 = vector.broadcast %shift_right_arithmetic3A : i32 to vector<16xi32>
        %shift_right_arithmetic3A_120 = arith.shrsi %get3A_107, %shift_right_arithmetic3A_119 : vector<16xi32>
        %mul3A_121 = arith.constant 400000 : i32
        %mul3A_122 = vector.broadcast %mul3A_121 : i32 to vector<16xi32>
        %mul3A_123 = arith.muli %shift_right_arithmetic3A_120, %mul3A_122 : vector<16xi32>
        %add3A_124 = arith.addi %add3A_118, %mul3A_123 : vector<16xi32>
        %jit3A = arith.constant 8 : i32
        %div3A = arith.divsi %scan3A_98, %jit3A : i32
        %sign3A = arith.constant 0 : i32
        %sign3A_125 = arith.cmpi sgt, %scan3A_98, %sign3A : i32
        %sign3A_126 = arith.extui %sign3A_125 : i1 to i32
        %sign3A_127 = arith.constant 0 : i32
        %sign3A_128 = arith.cmpi slt, %scan3A_98, %sign3A_127 : i32
        %sign3A_129 = arith.extui %sign3A_128 : i1 to i32
        %sign3A_130 = arith.subi %sign3A_126, %sign3A_129 : i32
        %sign3A_131 = arith.constant 0 : i32
        %sign3A_132 = arith.cmpi sgt, %jit3A, %sign3A_131 : i32
        %sign3A_133 = arith.extui %sign3A_132 : i1 to i32
        %sign3A_134 = arith.constant 0 : i32
        %sign3A_135 = arith.cmpi slt, %jit3A, %sign3A_134 : i32
        %sign3A_136 = arith.extui %sign3A_135 : i1 to i32
        %sign3A_137 = arith.subi %sign3A_133, %sign3A_136 : i32
        %ne3A = arith.cmpi ne, %sign3A_130, %sign3A_137 : i32
        %rem3A = arith.remsi %scan3A_98, %jit3A : i32
        %ne3A_138 = arith.constant 0 : i32
        %ne3A_139 = arith.cmpi ne, %rem3A, %ne3A_138 : i32
        %and3A_140 = arith.andi %ne3A, %ne3A_139 : i1
        %sub3A = arith.constant 1 : i32
        %sub3A_141 = arith.subi %div3A, %sub3A : i32
        %select_n3A_142 = arith.select %and3A_140, %sub3A_141, %div3A : i32
        %jit3A_143 = arith.constant 8 : i32
        %eq3A_144 = arith.constant 0 : i32
        %eq3A_145 = arith.cmpi eq, %jit3A_143, %eq3A_144 : i32
        %jit3A_146 = arith.constant 1 : i32
        %select_n3A_147 = arith.select %eq3A_145, %jit3A_146, %jit3A_143 : i32
        %rem3A_148 = arith.remsi %scan3A_98, %select_n3A_147 : i32
        %ne3A_149 = arith.constant 0 : i32
        %ne3A_150 = arith.cmpi ne, %rem3A_148, %ne3A_149 : i32
        %lt3A = arith.constant 0 : i32
        %lt3A_151 = arith.cmpi slt, %rem3A_148, %lt3A : i32
        %lt3A_152 = arith.constant 0 : i32
        %lt3A_153 = arith.cmpi slt, %select_n3A_147, %lt3A_152 : i32
        %ne3A_154 = arith.xori %lt3A_151, %lt3A_153 : i1
        %and3A_155 = arith.andi %ne3A_154, %ne3A_150 : i1
        %add3A_156 = arith.addi %rem3A_148, %select_n3A_147 : i32
        %select_n3A_157 = arith.select %and3A_155, %add3A_156, %rem3A_148 : i32
        %mul3A_158 = arith.constant 16 : i32
        %mul3A_159 = arith.muli %select_n3A_157, %mul3A_158 : i32
        %swap3A = arith.index_cast %select_n3A_142 : i32 to index
        %swap3A_160 = arith.index_cast %mul3A_159 : i32 to index
        %swap3A_161 = tpu.vector_load %arg10[%swap3A, %swap3A_160] {strides = array<i32>} : memref<28x128xi32, #tpu.memory_space<vmem>>, vector<1x16xi32>,
        %swap3A_162 = vector.shape_cast %swap3A_161 : vector<1x16xi32> to vector<16xi32>
        %swap3A_163 = vector.shape_cast %add3A_124 : vector<16xi32> to vector<1x16xi32>
        tpu.vector_store %arg10[%swap3A, %swap3A_160], %swap3A_163 {strides = array<i32>} : memref<28x128xi32, #tpu.memory_space<vmem>>, vector<1x16xi32>,
        %jit3A_164 = arith.constant 8 : i32
        %div3A_165 = arith.divsi %scan3A_98, %jit3A_164 : i32
        %sign3A_166 = arith.constant 0 : i32
        %sign3A_167 = arith.cmpi sgt, %scan3A_98, %sign3A_166 : i32
        %sign3A_168 = arith.extui %sign3A_167 : i1 to i32
        %sign3A_169 = arith.constant 0 : i32
        %sign3A_170 = arith.cmpi slt, %scan3A_98, %sign3A_169 : i32
        %sign3A_171 = arith.extui %sign3A_170 : i1 to i32
        %sign3A_172 = arith.subi %sign3A_168, %sign3A_171 : i32
        %sign3A_173 = arith.constant 0 : i32
        %sign3A_174 = arith.cmpi sgt, %jit3A_164, %sign3A_173 : i32
        %sign3A_175 = arith.extui %sign3A_174 : i1 to i32
        %sign3A_176 = arith.constant 0 : i32
        %sign3A_177 = arith.cmpi slt, %jit3A_164, %sign3A_176 : i32
        %sign3A_178 = arith.extui %sign3A_177 : i1 to i32
        %sign3A_179 = arith.subi %sign3A_175, %sign3A_178 : i32
        %ne3A_180 = arith.cmpi ne, %sign3A_172, %sign3A_179 : i32
        %rem3A_181 = arith.remsi %scan3A_98, %jit3A_164 : i32
        %ne3A_182 = arith.constant 0 : i32
        %ne3A_183 = arith.cmpi ne, %rem3A_181, %ne3A_182 : i32
        %and3A_184 = arith.andi %ne3A_180, %ne3A_183 : i1
        %sub3A_185 = arith.constant 1 : i32
        %sub3A_186 = arith.subi %div3A_165, %sub3A_185 : i32
        %select_n3A_187 = arith.select %and3A_184, %sub3A_186, %div3A_165 : i32
        %jit3A_188 = arith.constant 8 : i32
        %eq3A_189 = arith.constant 0 : i32
        %eq3A_190 = arith.cmpi eq, %jit3A_188, %eq3A_189 : i32
        %jit3A_191 = arith.constant 1 : i32
        %select_n3A_192 = arith.select %eq3A_190, %jit3A_191, %jit3A_188 : i32
        %rem3A_193 = arith.remsi %scan3A_98, %select_n3A_192 : i32
        %ne3A_194 = arith.constant 0 : i32
        %ne3A_195 = arith.cmpi ne, %rem3A_193, %ne3A_194 : i32
        %lt3A_196 = arith.constant 0 : i32
        %lt3A_197 = arith.cmpi slt, %rem3A_193, %lt3A_196 : i32
        %lt3A_198 = arith.constant 0 : i32
        %lt3A_199 = arith.cmpi slt, %select_n3A_192, %lt3A_198 : i32
        %ne3A_200 = arith.xori %lt3A_197, %lt3A_199 : i1
        %and3A_201 = arith.andi %ne3A_200, %ne3A_195 : i1
        %add3A_202 = arith.addi %rem3A_193, %select_n3A_192 : i32
        %select_n3A_203 = arith.select %and3A_201, %add3A_202, %rem3A_193 : i32
        %mul3A_204 = arith.constant 16 : i32
        %mul3A_205 = arith.muli %select_n3A_203, %mul3A_204 : i32
        %swap3A_206 = arith.index_cast %select_n3A_187 : i32 to index
        %swap3A_207 = arith.index_cast %mul3A_205 : i32 to index
        %swap3A_208 = tpu.vector_load %arg11[%swap3A_206, %swap3A_207] {strides = array<i32>} : memref<28x128xi32, #tpu.memory_space<vmem>>, vector<1x16xi32>,
        %swap3A_209 = vector.shape_cast %swap3A_208 : vector<1x16xi32> to vector<16xi32>
        %swap3A_210 = vector.shape_cast %get3A_112 : vector<16xi32> to vector<1x16xi32>
        tpu.vector_store %arg11[%swap3A_206, %swap3A_207], %swap3A_210 {strides = array<i32>} : memref<28x128xi32, #tpu.memory_space<vmem>>, vector<1x16xi32>,
      }
      %scan3A_37 = arith.constant 224 : i32
      %dma_start3A = arith.constant 0 : i32
      %dma_start3A_38 = arith.constant 0 : i32
      %dma_start3A_39 = tpu.memref_slice %arg10[%dma_start3A, %dma_start3A_38] : memref<28x128xi32, #tpu.memory_space<vmem>> -> memref<1x128xi32, #tpu.memory_space<vmem>>
      %dma_start3A_40 = tpu.memref_squeeze %dma_start3A_39 : memref<1x128xi32, #tpu.memory_space<vmem>> -> memref<128xi32, #tpu.memory_space<vmem>>
      %dma_start3A_41 = arith.constant 0 : i32
      %dma_start3A_42 = arith.constant 0 : i32
      %dma_start3A_43 = tpu.memref_slice %arg2[%dma_start3A_41, %dma_start3A_42] : memref<800000x16xf32, #tpu.memory_space<hbm>> -> memref<800000x16xf32, #tpu.memory_space<hbm>>
      tpu.enqueue_indirect_dma source(%dma_start3A_43 : memref<800000x16xf32, #tpu.memory_space<hbm>>) target(%arg12 : memref<128x16xf32, #tpu.memory_space<vmem>>) offsets(%dma_start3A_40 : memref<128xi32, #tpu.memory_space<vmem>>) semaphore(%arg17 : memref<!tpu.dma_semaphore, #tpu.memory_space<semaphore_mem>>)
      %dma_start3A_44 = arith.constant 1 : i32
      %dma_start3A_45 = arith.constant 0 : i32
      %dma_start3A_46 = tpu.memref_slice %arg10[%dma_start3A_44, %dma_start3A_45] : memref<28x128xi32, #tpu.memory_space<vmem>> -> memref<1x128xi32, #tpu.memory_space<vmem>>
      %dma_start3A_47 = tpu.memref_squeeze %dma_start3A_46 : memref<1x128xi32, #tpu.memory_space<vmem>> -> memref<128xi32, #tpu.memory_space<vmem>>
      %dma_start3A_48 = arith.constant 0 : i32
      %dma_start3A_49 = arith.constant 0 : i32
      %dma_start3A_50 = tpu.memref_slice %arg2[%dma_start3A_48, %dma_start3A_49] : memref<800000x16xf32, #tpu.memory_space<hbm>> -> memref<800000x16xf32, #tpu.memory_space<hbm>>
      tpu.enqueue_indirect_dma source(%dma_start3A_50 : memref<800000x16xf32, #tpu.memory_space<hbm>>) target(%arg13 : memref<128x16xf32, #tpu.memory_space<vmem>>) offsets(%dma_start3A_47 : memref<128xi32, #tpu.memory_space<vmem>>) semaphore(%arg18 : memref<!tpu.dma_semaphore, #tpu.memory_space<semaphore_mem>>)
      %dma_start3A_51 = arith.constant 2 : i32
      %dma_start3A_52 = arith.constant 0 : i32
      %dma_start3A_53 = tpu.memref_slice %arg10[%dma_start3A_51, %dma_start3A_52] : memref<28x128xi32, #tpu.memory_space<vmem>> -> memref<1x128xi32, #tpu.memory_space<vmem>>
      %dma_start3A_54 = tpu.memref_squeeze %dma_start3A_53 : memref<1x128xi32, #tpu.memory_space<vmem>> -> memref<128xi32, #tpu.memory_space<vmem>>
      %dma_start3A_55 = arith.constant 0 : i32
      %dma_start3A_56 = arith.constant 0 : i32
      %dma_start3A_57 = tpu.memref_slice %arg2[%dma_start3A_55, %dma_start3A_56] : memref<800000x16xf32, #tpu.memory_space<hbm>> -> memref<800000x16xf32, #tpu.memory_space<hbm>>
      tpu.enqueue_indirect_dma source(%dma_start3A_57 : memref<800000x16xf32, #tpu.memory_space<hbm>>) target(%arg14 : memref<128x16xf32, #tpu.memory_space<vmem>>) offsets(%dma_start3A_54 : memref<128xi32, #tpu.memory_space<vmem>>) semaphore(%arg19 : memref<!tpu.dma_semaphore, #tpu.memory_space<semaphore_mem>>)
      %dma_start3A_58 = arith.constant 3 : i32
      %dma_start3A_59 = arith.constant 0 : i32
      %dma_start3A_60 = tpu.memref_slice %arg10[%dma_start3A_58, %dma_start3A_59] : memref<28x128xi32, #tpu.memory_space<vmem>> -> memref<1x128xi32, #tpu.memory_space<vmem>>
      %dma_start3A_61 = tpu.memref_squeeze %dma_start3A_60 : memref<1x128xi32, #tpu.memory_space<vmem>> -> memref<128xi32, #tpu.memory_space<vmem>>
      %dma_start3A_62 = arith.constant 0 : i32
      %dma_start3A_63 = arith.constant 0 : i32
      %dma_start3A_64 = tpu.memref_slice %arg2[%dma_start3A_62, %dma_start3A_63] : memref<800000x16xf32, #tpu.memory_space<hbm>> -> memref<800000x16xf32, #tpu.memory_space<hbm>>
      tpu.enqueue_indirect_dma source(%dma_start3A_64 : memref<800000x16xf32, #tpu.memory_space<hbm>>) target(%arg15 : memref<128x16xf32, #tpu.memory_space<vmem>>) offsets(%dma_start3A_61 : memref<128xi32, #tpu.memory_space<vmem>>) semaphore(%arg20 : memref<!tpu.dma_semaphore, #tpu.memory_space<semaphore_mem>>)
      %scan3A_65 = arith.constant 0 : i32
      %scan3A_66 = arith.constant 0 : i32
      %scan3A_67 = arith.constant 7 : i32
      %scan3A_68 = arith.addi %scan3A_66, %scan3A_67 : i32
      %scan3A_69 = arith.constant 1 : i32
      scf.for %scan3A_98 = %scan3A_66 to %scan3A_68 step %scan3A_69  : i32 {
        %mul3A_99 = arith.constant 4 : i32
        %mul3A_100 = arith.muli %scan3A_98, %mul3A_99 : i32
        %add3A_101 = arith.constant 0 : i32
        %add3A_102 = arith.addi %mul3A_100, %add3A_101 : i32
        %dma_wait3A_103 = arith.constant 0 : i32
        %dma_wait3A_104 = tpu.memref_slice %arg10[%add3A_102, %dma_wait3A_103] : memref<28x128xi32, #tpu.memory_space<vmem>> -> memref<1x128xi32, #tpu.memory_space<vmem>>
        %dma_wait3A_105 = tpu.memref_squeeze %dma_wait3A_104 : memref<1x128xi32, #tpu.memory_space<vmem>> -> memref<128xi32, #tpu.memory_space<vmem>>
        %dma_wait3A_106 = arith.constant 0 : i32
        %dma_wait3A_107 = arith.constant 0 : i32
        %dma_wait3A_108 = tpu.memref_slice %arg2[%dma_wait3A_106, %dma_wait3A_107] : memref<800000x16xf32, #tpu.memory_space<hbm>> -> memref<800000x16xf32, #tpu.memory_space<hbm>>
        tpu.wait_indirect_dma semaphore(%arg17 : memref<!tpu.dma_semaphore, #tpu.memory_space<semaphore_mem>>) src(%dma_wait3A_108 : memref<800000x16xf32, #tpu.memory_space<hbm>>) dst(%arg12 : memref<128x16xf32, #tpu.memory_space<vmem>>)
        %add3A_109 = arith.constant 0 : i32
        %add3A_110 = arith.addi %mul3A_100, %add3A_109 : i32
        %dma_start3A_111 = arith.constant 0 : i32
        %dma_start3A_112 = tpu.memref_slice %arg11[%add3A_110, %dma_start3A_111] : memref<28x128xi32, #tpu.memory_space<vmem>> -> memref<1x128xi32, #tpu.memory_space<vmem>>
        %dma_start3A_113 = tpu.memref_squeeze %dma_start3A_112 : memref<1x128xi32, #tpu.memory_space<vmem>> -> memref<128xi32, #tpu.memory_space<vmem>>
        %dma_start3A_114 = arith.constant 0 : i32
        %dma_start3A_115 = arith.constant 0 : i32
        %dma_start3A_116 = tpu.memref_slice %arg16[%dma_start3A_114, %dma_start3A_115] : memref<50048x16xf32, #tpu.memory_space<vmem_shared>> -> memref<50048x16xf32, #tpu.memory_space<vmem_shared>>
        tpu.enqueue_indirect_dma source(%arg12 : memref<128x16xf32, #tpu.memory_space<vmem>>) target(%dma_start3A_116 : memref<50048x16xf32, #tpu.memory_space<vmem_shared>>) offsets(%dma_start3A_113 : memref<128xi32, #tpu.memory_space<vmem>>) semaphore(%arg21 : memref<!tpu.dma_semaphore, #tpu.memory_space<semaphore_mem>>) {add = true}
        %add3A_117 = arith.constant 1 : i32
        %add3A_118 = arith.addi %mul3A_100, %add3A_117 : i32
        %dma_wait3A_119 = arith.constant 0 : i32
        %dma_wait3A_120 = tpu.memref_slice %arg10[%add3A_118, %dma_wait3A_119] : memref<28x128xi32, #tpu.memory_space<vmem>> -> memref<1x128xi32, #tpu.memory_space<vmem>>
        %dma_wait3A_121 = tpu.memref_squeeze %dma_wait3A_120 : memref<1x128xi32, #tpu.memory_space<vmem>> -> memref<128xi32, #tpu.memory_space<vmem>>
        %dma_wait3A_122 = arith.constant 0 : i32
        %dma_wait3A_123 = arith.constant 0 : i32
        %dma_wait3A_124 = tpu.memref_slice %arg2[%dma_wait3A_122, %dma_wait3A_123] : memref<800000x16xf32, #tpu.memory_space<hbm>> -> memref<800000x16xf32, #tpu.memory_space<hbm>>
        tpu.wait_indirect_dma semaphore(%arg18 : memref<!tpu.dma_semaphore, #tpu.memory_space<semaphore_mem>>) src(%dma_wait3A_124 : memref<800000x16xf32, #tpu.memory_space<hbm>>) dst(%arg13 : memref<128x16xf32, #tpu.memory_space<vmem>>)
        %add3A_125 = arith.constant 1 : i32
        %add3A_126 = arith.addi %mul3A_100, %add3A_125 : i32
        %dma_start3A_127 = arith.constant 0 : i32
        %dma_start3A_128 = tpu.memref_slice %arg11[%add3A_126, %dma_start3A_127] : memref<28x128xi32, #tpu.memory_space<vmem>> -> memref<1x128xi32, #tpu.memory_space<vmem>>
        %dma_start3A_129 = tpu.memref_squeeze %dma_start3A_128 : memref<1x128xi32, #tpu.memory_space<vmem>> -> memref<128xi32, #tpu.memory_space<vmem>>
        %dma_start3A_130 = arith.constant 0 : i32
        %dma_start3A_131 = arith.constant 0 : i32
        %dma_start3A_132 = tpu.memref_slice %arg16[%dma_start3A_130, %dma_start3A_131] : memref<50048x16xf32, #tpu.memory_space<vmem_shared>> -> memref<50048x16xf32, #tpu.memory_space<vmem_shared>>
        tpu.enqueue_indirect_dma source(%arg13 : memref<128x16xf32, #tpu.memory_space<vmem>>) target(%dma_start3A_132 : memref<50048x16xf32, #tpu.memory_space<vmem_shared>>) offsets(%dma_start3A_129 : memref<128xi32, #tpu.memory_space<vmem>>) semaphore(%arg22 : memref<!tpu.dma_semaphore, #tpu.memory_space<semaphore_mem>>) {add = true}
        %add3A_133 = arith.constant 2 : i32
        %add3A_134 = arith.addi %mul3A_100, %add3A_133 : i32
        %dma_wait3A_135 = arith.constant 0 : i32
        %dma_wait3A_136 = tpu.memref_slice %arg10[%add3A_134, %dma_wait3A_135] : memref<28x128xi32, #tpu.memory_space<vmem>> -> memref<1x128xi32, #tpu.memory_space<vmem>>
        %dma_wait3A_137 = tpu.memref_squeeze %dma_wait3A_136 : memref<1x128xi32, #tpu.memory_space<vmem>> -> memref<128xi32, #tpu.memory_space<vmem>>
        %dma_wait3A_138 = arith.constant 0 : i32
        %dma_wait3A_139 = arith.constant 0 : i32
        %dma_wait3A_140 = tpu.memref_slice %arg2[%dma_wait3A_138, %dma_wait3A_139] : memref<800000x16xf32, #tpu.memory_space<hbm>> -> memref<800000x16xf32, #tpu.memory_space<hbm>>
        tpu.wait_indirect_dma semaphore(%arg19 : memref<!tpu.dma_semaphore, #tpu.memory_space<semaphore_mem>>) src(%dma_wait3A_140 : memref<800000x16xf32, #tpu.memory_space<hbm>>) dst(%arg14 : memref<128x16xf32, #tpu.memory_space<vmem>>)
        %add3A_141 = arith.constant 2 : i32
        %add3A_142 = arith.addi %mul3A_100, %add3A_141 : i32
        %dma_start3A_143 = arith.constant 0 : i32
        %dma_start3A_144 = tpu.memref_slice %arg11[%add3A_142, %dma_start3A_143] : memref<28x128xi32, #tpu.memory_space<vmem>> -> memref<1x128xi32, #tpu.memory_space<vmem>>
        %dma_start3A_145 = tpu.memref_squeeze %dma_start3A_144 : memref<1x128xi32, #tpu.memory_space<vmem>> -> memref<128xi32, #tpu.memory_space<vmem>>
        %dma_start3A_146 = arith.constant 0 : i32
        %dma_start3A_147 = arith.constant 0 : i32
        %dma_start3A_148 = tpu.memref_slice %arg16[%dma_start3A_146, %dma_start3A_147] : memref<50048x16xf32, #tpu.memory_space<vmem_shared>> -> memref<50048x16xf32, #tpu.memory_space<vmem_shared>>
        tpu.enqueue_indirect_dma source(%arg14 : memref<128x16xf32, #tpu.memory_space<vmem>>) target(%dma_start3A_148 : memref<50048x16xf32, #tpu.memory_space<vmem_shared>>) offsets(%dma_start3A_145 : memref<128xi32, #tpu.memory_space<vmem>>) semaphore(%arg23 : memref<!tpu.dma_semaphore, #tpu.memory_space<semaphore_mem>>) {add = true}
        %add3A_149 = arith.constant 3 : i32
        %add3A_150 = arith.addi %mul3A_100, %add3A_149 : i32
        %dma_wait3A_151 = arith.constant 0 : i32
        %dma_wait3A_152 = tpu.memref_slice %arg10[%add3A_150, %dma_wait3A_151] : memref<28x128xi32, #tpu.memory_space<vmem>> -> memref<1x128xi32, #tpu.memory_space<vmem>>
        %dma_wait3A_153 = tpu.memref_squeeze %dma_wait3A_152 : memref<1x128xi32, #tpu.memory_space<vmem>> -> memref<128xi32, #tpu.memory_space<vmem>>
        %dma_wait3A_154 = arith.constant 0 : i32
        %dma_wait3A_155 = arith.constant 0 : i32
        %dma_wait3A_156 = tpu.memref_slice %arg2[%dma_wait3A_154, %dma_wait3A_155] : memref<800000x16xf32, #tpu.memory_space<hbm>> -> memref<800000x16xf32, #tpu.memory_space<hbm>>
        tpu.wait_indirect_dma semaphore(%arg20 : memref<!tpu.dma_semaphore, #tpu.memory_space<semaphore_mem>>) src(%dma_wait3A_156 : memref<800000x16xf32, #tpu.memory_space<hbm>>) dst(%arg15 : memref<128x16xf32, #tpu.memory_space<vmem>>)
        %add3A_157 = arith.constant 3 : i32
        %add3A_158 = arith.addi %mul3A_100, %add3A_157 : i32
        %dma_start3A_159 = arith.constant 0 : i32
        %dma_start3A_160 = tpu.memref_slice %arg11[%add3A_158, %dma_start3A_159] : memref<28x128xi32, #tpu.memory_space<vmem>> -> memref<1x128xi32, #tpu.memory_space<vmem>>
        %dma_start3A_161 = tpu.memref_squeeze %dma_start3A_160 : memref<1x128xi32, #tpu.memory_space<vmem>> -> memref<128xi32, #tpu.memory_space<vmem>>
        %dma_start3A_162 = arith.constant 0 : i32
        %dma_start3A_163 = arith.constant 0 : i32
        %dma_start3A_164 = tpu.memref_slice %arg16[%dma_start3A_162, %dma_start3A_163] : memref<50048x16xf32, #tpu.memory_space<vmem_shared>> -> memref<50048x16xf32, #tpu.memory_space<vmem_shared>>
        tpu.enqueue_indirect_dma source(%arg15 : memref<128x16xf32, #tpu.memory_space<vmem>>) target(%dma_start3A_164 : memref<50048x16xf32, #tpu.memory_space<vmem_shared>>) offsets(%dma_start3A_161 : memref<128xi32, #tpu.memory_space<vmem>>) semaphore(%arg24 : memref<!tpu.dma_semaphore, #tpu.memory_space<semaphore_mem>>) {add = true}
        %lt3A = arith.constant 6 : i32
        %lt3A_165 = arith.cmpi slt, %scan3A_98, %lt3A : i32
        %convert_element_type3A = arith.extui %lt3A_165 : i1 to i32
        %cond3A = arith.constant 0 : i32
        %cond3A_166 = arith.cmpi ne, %convert_element_type3A, %cond3A : i32
        scf.if %cond3A_166 {
          %add3A_167 = arith.constant 0 : i32
          %add3A_168 = arith.addi %mul3A_100, %add3A_167 : i32
          %dma_wait3A_169 = arith.constant 0 : i32
          %dma_wait3A_170 = tpu.memref_slice %arg11[%add3A_168, %dma_wait3A_169] : memref<28x128xi32, #tpu.memory_space<vmem>> -> memref<1x128xi32, #tpu.memory_space<vmem>>
          %dma_wait3A_171 = tpu.memref_squeeze %dma_wait3A_170 : memref<1x128xi32, #tpu.memory_space<vmem>> -> memref<128xi32, #tpu.memory_space<vmem>>
          %dma_wait3A_172 = arith.constant 0 : i32
          %dma_wait3A_173 = arith.constant 0 : i32
          %dma_wait3A_174 = tpu.memref_slice %arg16[%dma_wait3A_172, %dma_wait3A_173] : memref<50048x16xf32, #tpu.memory_space<vmem_shared>> -> memref<50048x16xf32, #tpu.memory_space<vmem_shared>>
          tpu.wait_indirect_dma semaphore(%arg21 : memref<!tpu.dma_semaphore, #tpu.memory_space<semaphore_mem>>) src(%arg12 : memref<128x16xf32, #tpu.memory_space<vmem>>) dst(%dma_wait3A_174 : memref<50048x16xf32, #tpu.memory_space<vmem_shared>>)
          %add3A_175 = arith.constant 4 : i32
          %add3A_176 = arith.addi %mul3A_100, %add3A_175 : i32
          %add3A_177 = arith.constant 0 : i32
          %add3A_178 = arith.addi %add3A_176, %add3A_177 : i32
          %dma_start3A_179 = arith.constant 0 : i32
          %dma_start3A_180 = tpu.memref_slice %arg10[%add3A_178, %dma_start3A_179] : memref<28x128xi32, #tpu.memory_space<vmem>> -> memref<1x128xi32, #tpu.memory_space<vmem>>
          %dma_start3A_181 = tpu.memref_squeeze %dma_start3A_180 : memref<1x128xi32, #tpu.memory_space<vmem>> -> memref<128xi32, #tpu.memory_space<vmem>>
          %dma_start3A_182 = arith.constant 0 : i32
          %dma_start3A_183 = arith.constant 0 : i32
          %dma_start3A_184 = tpu.memref_slice %arg2[%dma_start3A_182, %dma_start3A_183] : memref<800000x16xf32, #tpu.memory_space<hbm>> -> memref<800000x16xf32, #tpu.memory_space<hbm>>
          tpu.enqueue_indirect_dma source(%dma_start3A_184 : memref<800000x16xf32, #tpu.memory_space<hbm>>) target(%arg12 : memref<128x16xf32, #tpu.memory_space<vmem>>) offsets(%dma_start3A_181 : memref<128xi32, #tpu.memory_space<vmem>>) semaphore(%arg17 : memref<!tpu.dma_semaphore, #tpu.memory_space<semaphore_mem>>)
          %add3A_185 = arith.constant 1 : i32
          %add3A_186 = arith.addi %mul3A_100, %add3A_185 : i32
          %dma_wait3A_187 = arith.constant 0 : i32
          %dma_wait3A_188 = tpu.memref_slice %arg11[%add3A_186, %dma_wait3A_187] : memref<28x128xi32, #tpu.memory_space<vmem>> -> memref<1x128xi32, #tpu.memory_space<vmem>>
          %dma_wait3A_189 = tpu.memref_squeeze %dma_wait3A_188 : memref<1x128xi32, #tpu.memory_space<vmem>> -> memref<128xi32, #tpu.memory_space<vmem>>
          %dma_wait3A_190 = arith.constant 0 : i32
          %dma_wait3A_191 = arith.constant 0 : i32
          %dma_wait3A_192 = tpu.memref_slice %arg16[%dma_wait3A_190, %dma_wait3A_191] : memref<50048x16xf32, #tpu.memory_space<vmem_shared>> -> memref<50048x16xf32, #tpu.memory_space<vmem_shared>>
          tpu.wait_indirect_dma semaphore(%arg22 : memref<!tpu.dma_semaphore, #tpu.memory_space<semaphore_mem>>) src(%arg13 : memref<128x16xf32, #tpu.memory_space<vmem>>) dst(%dma_wait3A_192 : memref<50048x16xf32, #tpu.memory_space<vmem_shared>>)
          %add3A_193 = arith.constant 4 : i32
          %add3A_194 = arith.addi %mul3A_100, %add3A_193 : i32
          %add3A_195 = arith.constant 1 : i32
          %add3A_196 = arith.addi %add3A_194, %add3A_195 : i32
          %dma_start3A_197 = arith.constant 0 : i32
          %dma_start3A_198 = tpu.memref_slice %arg10[%add3A_196, %dma_start3A_197] : memref<28x128xi32, #tpu.memory_space<vmem>> -> memref<1x128xi32, #tpu.memory_space<vmem>>
          %dma_start3A_199 = tpu.memref_squeeze %dma_start3A_198 : memref<1x128xi32, #tpu.memory_space<vmem>> -> memref<128xi32, #tpu.memory_space<vmem>>
          %dma_start3A_200 = arith.constant 0 : i32
          %dma_start3A_201 = arith.constant 0 : i32
          %dma_start3A_202 = tpu.memref_slice %arg2[%dma_start3A_200, %dma_start3A_201] : memref<800000x16xf32, #tpu.memory_space<hbm>> -> memref<800000x16xf32, #tpu.memory_space<hbm>>
          tpu.enqueue_indirect_dma source(%dma_start3A_202 : memref<800000x16xf32, #tpu.memory_space<hbm>>) target(%arg13 : memref<128x16xf32, #tpu.memory_space<vmem>>) offsets(%dma_start3A_199 : memref<128xi32, #tpu.memory_space<vmem>>) semaphore(%arg18 : memref<!tpu.dma_semaphore, #tpu.memory_space<semaphore_mem>>)
          %add3A_203 = arith.constant 2 : i32
          %add3A_204 = arith.addi %mul3A_100, %add3A_203 : i32
          %dma_wait3A_205 = arith.constant 0 : i32
          %dma_wait3A_206 = tpu.memref_slice %arg11[%add3A_204, %dma_wait3A_205] : memref<28x128xi32, #tpu.memory_space<vmem>> -> memref<1x128xi32, #tpu.memory_space<vmem>>
          %dma_wait3A_207 = tpu.memref_squeeze %dma_wait3A_206 : memref<1x128xi32, #tpu.memory_space<vmem>> -> memref<128xi32, #tpu.memory_space<vmem>>
          %dma_wait3A_208 = arith.constant 0 : i32
          %dma_wait3A_209 = arith.constant 0 : i32
          %dma_wait3A_210 = tpu.memref_slice %arg16[%dma_wait3A_208, %dma_wait3A_209] : memref<50048x16xf32, #tpu.memory_space<vmem_shared>> -> memref<50048x16xf32, #tpu.memory_space<vmem_shared>>
          tpu.wait_indirect_dma semaphore(%arg23 : memref<!tpu.dma_semaphore, #tpu.memory_space<semaphore_mem>>) src(%arg14 : memref<128x16xf32, #tpu.memory_space<vmem>>) dst(%dma_wait3A_210 : memref<50048x16xf32, #tpu.memory_space<vmem_shared>>)
          %add3A_211 = arith.constant 4 : i32
          %add3A_212 = arith.addi %mul3A_100, %add3A_211 : i32
          %add3A_213 = arith.constant 2 : i32
          %add3A_214 = arith.addi %add3A_212, %add3A_213 : i32
          %dma_start3A_215 = arith.constant 0 : i32
          %dma_start3A_216 = tpu.memref_slice %arg10[%add3A_214, %dma_start3A_215] : memref<28x128xi32, #tpu.memory_space<vmem>> -> memref<1x128xi32, #tpu.memory_space<vmem>>
          %dma_start3A_217 = tpu.memref_squeeze %dma_start3A_216 : memref<1x128xi32, #tpu.memory_space<vmem>> -> memref<128xi32, #tpu.memory_space<vmem>>
          %dma_start3A_218 = arith.constant 0 : i32
          %dma_start3A_219 = arith.constant 0 : i32
          %dma_start3A_220 = tpu.memref_slice %arg2[%dma_start3A_218, %dma_start3A_219] : memref<800000x16xf32, #tpu.memory_space<hbm>> -> memref<800000x16xf32, #tpu.memory_space<hbm>>
          tpu.enqueue_indirect_dma source(%dma_start3A_220 : memref<800000x16xf32, #tpu.memory_space<hbm>>) target(%arg14 : memref<128x16xf32, #tpu.memory_space<vmem>>) offsets(%dma_start3A_217 : memref<128xi32, #tpu.memory_space<vmem>>) semaphore(%arg19 : memref<!tpu.dma_semaphore, #tpu.memory_space<semaphore_mem>>)
          %add3A_221 = arith.constant 3 : i32
          %add3A_222 = arith.addi %mul3A_100, %add3A_221 : i32
          %dma_wait3A_223 = arith.constant 0 : i32
          %dma_wait3A_224 = tpu.memref_slice %arg11[%add3A_222, %dma_wait3A_223] : memref<28x128xi32, #tpu.memory_space<vmem>> -> memref<1x128xi32, #tpu.memory_space<vmem>>
          %dma_wait3A_225 = tpu.memref_squeeze %dma_wait3A_224 : memref<1x128xi32, #tpu.memory_space<vmem>> -> memref<128xi32, #tpu.memory_space<vmem>>
          %dma_wait3A_226 = arith.constant 0 : i32
          %dma_wait3A_227 = arith.constant 0 : i32
          %dma_wait3A_228 = tpu.memref_slice %arg16[%dma_wait3A_226, %dma_wait3A_227] : memref<50048x16xf32, #tpu.memory_space<vmem_shared>> -> memref<50048x16xf32, #tpu.memory_space<vmem_shared>>
          tpu.wait_indirect_dma semaphore(%arg24 : memref<!tpu.dma_semaphore, #tpu.memory_space<semaphore_mem>>) src(%arg15 : memref<128x16xf32, #tpu.memory_space<vmem>>) dst(%dma_wait3A_228 : memref<50048x16xf32, #tpu.memory_space<vmem_shared>>)
          %add3A_229 = arith.constant 4 : i32
          %add3A_230 = arith.addi %mul3A_100, %add3A_229 : i32
          %add3A_231 = arith.constant 3 : i32
          %add3A_232 = arith.addi %add3A_230, %add3A_231 : i32
          %dma_start3A_233 = arith.constant 0 : i32
          %dma_start3A_234 = tpu.memref_slice %arg10[%add3A_232, %dma_start3A_233] : memref<28x128xi32, #tpu.memory_space<vmem>> -> memref<1x128xi32, #tpu.memory_space<vmem>>
          %dma_start3A_235 = tpu.memref_squeeze %dma_start3A_234 : memref<1x128xi32, #tpu.memory_space<vmem>> -> memref<128xi32, #tpu.memory_space<vmem>>
          %dma_start3A_236 = arith.constant 0 : i32
          %dma_start3A_237 = arith.constant 0 : i32
          %dma_start3A_238 = tpu.memref_slice %arg2[%dma_start3A_236, %dma_start3A_237] : memref<800000x16xf32, #tpu.memory_space<hbm>> -> memref<800000x16xf32, #tpu.memory_space<hbm>>
          tpu.enqueue_indirect_dma source(%dma_start3A_238 : memref<800000x16xf32, #tpu.memory_space<hbm>>) target(%arg15 : memref<128x16xf32, #tpu.memory_space<vmem>>) offsets(%dma_start3A_235 : memref<128xi32, #tpu.memory_space<vmem>>) semaphore(%arg20 : memref<!tpu.dma_semaphore, #tpu.memory_space<semaphore_mem>>)
        } else {
        }
      }
      %scan3A_70 = arith.constant 7 : i32
      %dma_wait3A = arith.constant 24 : i32
      %dma_wait3A_71 = arith.constant 0 : i32
      %dma_wait3A_72 = tpu.memref_slice %arg11[%dma_wait3A, %dma_wait3A_71] : memref<28x128xi32, #tpu.memory_space<vmem>> -> memref<1x128xi32, #tpu.memory_space<vmem>>
      %dma_wait3A_73 = tpu.memref_squeeze %dma_wait3A_72 : memref<1x128xi32, #tpu.memory_space<vmem>> -> memref<128xi32, #tpu.memory_space<vmem>>
      %dma_wait3A_74 = arith.constant 0 : i32
      %dma_wait3A_75 = arith.constant 0 : i32
      %dma_wait3A_76 = tpu.memref_slice %arg16[%dma_wait3A_74, %dma_wait3A_75] : memref<50048x16xf32, #tpu.memory_space<vmem_shared>> -> memref<50048x16xf32, #tpu.memory_space<vmem_shared>>
      tpu.wait_indirect_dma semaphore(%arg21 : memref<!tpu.dma_semaphore, #tpu.memory_space<semaphore_mem>>) src(%arg12 : memref<128x16xf32, #tpu.memory_space<vmem>>) dst(%dma_wait3A_76 : memref<50048x16xf32, #tpu.memory_space<vmem_shared>>)
      %dma_wait3A_77 = arith.constant 25 : i32
      %dma_wait3A_78 = arith.constant 0 : i32
      %dma_wait3A_79 = tpu.memref_slice %arg11[%dma_wait3A_77, %dma_wait3A_78] : memref<28x128xi32, #tpu.memory_space<vmem>> -> memref<1x128xi32, #tpu.memory_space<vmem>>
      %dma_wait3A_80 = tpu.memref_squeeze %dma_wait3A_79 : memref<1x128xi32, #tpu.memory_space<vmem>> -> memref<128xi32, #tpu.memory_space<vmem>>
      %dma_wait3A_81 = arith.constant 0 : i32
      %dma_wait3A_82 = arith.constant 0 : i32
      %dma_wait3A_83 = tpu.memref_slice %arg16[%dma_wait3A_81, %dma_wait3A_82] : memref<50048x16xf32, #tpu.memory_space<vmem_shared>> -> memref<50048x16xf32, #tpu.memory_space<vmem_shared>>
      tpu.wait_indirect_dma semaphore(%arg22 : memref<!tpu.dma_semaphore, #tpu.memory_space<semaphore_mem>>) src(%arg13 : memref<128x16xf32, #tpu.memory_space<vmem>>) dst(%dma_wait3A_83 : memref<50048x16xf32, #tpu.memory_space<vmem_shared>>)
      %dma_wait3A_84 = arith.constant 26 : i32
      %dma_wait3A_85 = arith.constant 0 : i32
      %dma_wait3A_86 = tpu.memref_slice %arg11[%dma_wait3A_84, %dma_wait3A_85] : memref<28x128xi32, #tpu.memory_space<vmem>> -> memref<1x128xi32, #tpu.memory_space<vmem>>
      %dma_wait3A_87 = tpu.memref_squeeze %dma_wait3A_86 : memref<1x128xi32, #tpu.memory_space<vmem>> -> memref<128xi32, #tpu.memory_space<vmem>>
      %dma_wait3A_88 = arith.constant 0 : i32
      %dma_wait3A_89 = arith.constant 0 : i32
      %dma_wait3A_90 = tpu.memref_slice %arg16[%dma_wait3A_88, %dma_wait3A_89] : memref<50048x16xf32, #tpu.memory_space<vmem_shared>> -> memref<50048x16xf32, #tpu.memory_space<vmem_shared>>
      tpu.wait_indirect_dma semaphore(%arg23 : memref<!tpu.dma_semaphore, #tpu.memory_space<semaphore_mem>>) src(%arg14 : memref<128x16xf32, #tpu.memory_space<vmem>>) dst(%dma_wait3A_90 : memref<50048x16xf32, #tpu.memory_space<vmem_shared>>)
      %dma_wait3A_91 = arith.constant 27 : i32
      %dma_wait3A_92 = arith.constant 0 : i32
      %dma_wait3A_93 = tpu.memref_slice %arg11[%dma_wait3A_91, %dma_wait3A_92] : memref<28x128xi32, #tpu.memory_space<vmem>> -> memref<1x128xi32, #tpu.memory_space<vmem>>
      %dma_wait3A_94 = tpu.memref_squeeze %dma_wait3A_93 : memref<1x128xi32, #tpu.memory_space<vmem>> -> memref<128xi32, #tpu.memory_space<vmem>>
      %dma_wait3A_95 = arith.constant 0 : i32
      %dma_wait3A_96 = arith.constant 0 : i32
      %dma_wait3A_97 = tpu.memref_slice %arg16[%dma_wait3A_95, %dma_wait3A_96] : memref<50048x16xf32, #tpu.memory_space<vmem_shared>> -> memref<50048x16xf32, #tpu.memory_space<vmem_shared>>
      tpu.wait_indirect_dma semaphore(%arg24 : memref<!tpu.dma_semaphore, #tpu.memory_space<semaphore_mem>>) src(%arg15 : memref<128x16xf32, #tpu.memory_space<vmem>>) dst(%dma_wait3A_97 : memref<50048x16xf32, #tpu.memory_space<vmem_shared>>)
    }
    %barrier3A_23 = arith.constant 0 : index
    tpu.barrier barrier_id(%barrier3A_23)
    %mul3A_24 = arith.constant 3128 : i32
    %mul3A_25 = arith.muli %arg1, %mul3A_24 : i32
    %mul3A_26 = arith.constant 3128 : i32
    %mul3A_27 = arith.muli %arg1, %mul3A_26 : i32
    "tpu.region"() ({
      %run_scoped3A = tpu.sem_alloc : memref<!tpu.dma_semaphore, #tpu.memory_space<semaphore_mem>>
      %dma_start3A = arith.constant 0 : i32
      %dma_start3A_28 = tpu.memref_slice %arg6[%arg0, %mul3A_27, %dma_start3A] : memref<2x50048x16xf32, #tpu.memory_space<hbm>> -> memref<1x3128x16xf32, #tpu.memory_space<hbm>>
      %dma_start3A_29 = tpu.memref_squeeze %dma_start3A_28 : memref<1x3128x16xf32, #tpu.memory_space<hbm>> -> memref<3128x16xf32, #tpu.memory_space<hbm>>
      %dma_start3A_30 = arith.constant 0 : i32
      %dma_start3A_31 = tpu.memref_slice %arg16[%mul3A_25, %dma_start3A_30] : memref<50048x16xf32, #tpu.memory_space<vmem_shared>> -> memref<3128x16xf32, #tpu.memory_space<vmem_shared>>
      tpu.enqueue_dma source(%dma_start3A_31 : memref<3128x16xf32, #tpu.memory_space<vmem_shared>>) target(%dma_start3A_29 : memref<3128x16xf32, #tpu.memory_space<hbm>>) target_semaphore(%run_scoped3A : memref<!tpu.dma_semaphore, #tpu.memory_space<semaphore_mem>>)
      %dma_wait3A = arith.constant 0 : i32
      %dma_wait3A_32 = tpu.memref_slice %arg6[%arg0, %mul3A_27, %dma_wait3A] : memref<2x50048x16xf32, #tpu.memory_space<hbm>> -> memref<1x3128x16xf32, #tpu.memory_space<hbm>>
      %dma_wait3A_33 = tpu.memref_squeeze %dma_wait3A_32 : memref<1x3128x16xf32, #tpu.memory_space<hbm>> -> memref<3128x16xf32, #tpu.memory_space<hbm>>
      %dma_wait3A_34 = arith.constant 0 : i32
      %dma_wait3A_35 = tpu.memref_slice %arg16[%mul3A_25, %dma_wait3A_34] : memref<50048x16xf32, #tpu.memory_space<vmem_shared>> -> memref<3128x16xf32, #tpu.memory_space<vmem_shared>>
      tpu.wait_dma2 semaphore(%run_scoped3A : memref<!tpu.dma_semaphore, #tpu.memory_space<semaphore_mem>>) src(%dma_wait3A_35 : memref<3128x16xf32, #tpu.memory_space<vmem_shared>>) dst(%dma_wait3A_33 : memref<3128x16xf32, #tpu.memory_space<hbm>>)
      tpu.yield
    }) : () -> ()
    return
  }
}

module attributes {stable_mosaic.version = 14 : i64} {
  func.func @_msg_table_body(%arg0: i32, %arg1: memref<1000x16xf32, #tpu.memory_space<vmem>>, %arg2: memref<2x16x128xf32, #tpu.memory_space<vmem>>, %arg3: memref<2x1000x128xf32, #tpu.memory_space<vmem>>) attributes {dimension_semantics = [#tpu.dimension_semantics<arbitrary>], iteration_bounds = array<i64: 50>, scalar_prefetch = 0 : i64, scratch_operands = 0 : i64, tpu.core_type = #tpu.core_type<tc>, window_params = [{transform_indices = @transform_0, window_bounds = array<i64: 1000, 16>}, {pipeline_mode = #tpu.pipeline_mode<synchronous>, transform_indices = @transform_1, window_bounds = array<i64: 2, 16, 128>}, {transform_indices = @transform_2, window_bounds = array<i64: 2, 1000, 128>}]} {
    %get3A = arith.constant 0 : index
    %get3A_0 = arith.constant 0 : index
    %get3A_1 = vector.load %arg1[%get3A, %get3A_0] : memref<1000x16xf32, #tpu.memory_space<vmem>>, vector<1000x16xf32>
    %get3A_2 = arith.constant 0 : index
    %get3A_3 = arith.constant 0 : index
    %get3A_4 = arith.constant 0 : index
    %get3A_5 = vector.load %arg2[%get3A_2, %get3A_3, %get3A_4] : memref<2x16x128xf32, #tpu.memory_space<vmem>>, vector<1x16x128xf32>
    %get3A_6 = vector.shape_cast %get3A_5 : vector<1x16x128xf32> to vector<16x128xf32>
    %dot_general3A = arith.constant dense<0.000000e+00> : vector<1000x128xf32>
    %dot_general3A_7 = tpu.matmul %get3A_1, %get3A_6, %dot_general3A {dimension_numbers = #tpu.dot_dimension_numbers<[1], [0], [0], [1], [0, 0, 1, 1], [], []>, transpose_lhs_hint = false} : vector<1000x16xf32>, vector<16x128xf32>, vector<1000x128xf32> -> vector<1000x128xf32>
    %swap3A = arith.constant 0 : index
    %swap3A_8 = arith.constant 0 : index
    %swap3A_9 = arith.constant 0 : index
    %swap3A_10 = vector.load %arg3[%swap3A, %swap3A_8, %swap3A_9] : memref<2x1000x128xf32, #tpu.memory_space<vmem>>, vector<1x1000x128xf32>
    %swap3A_11 = vector.shape_cast %swap3A_10 : vector<1x1000x128xf32> to vector<1000x128xf32>
    %swap3A_12 = vector.shape_cast %dot_general3A_7 : vector<1000x128xf32> to vector<1x1000x128xf32>
    tpu.vector_store %arg3[%swap3A, %swap3A_8, %swap3A_9], %swap3A_12 {strides = array<i32>} : memref<2x1000x128xf32, #tpu.memory_space<vmem>>, vector<1x1000x128xf32>,
    %get3A_13 = arith.constant 1 : index
    %get3A_14 = arith.constant 0 : index
    %get3A_15 = arith.constant 0 : index
    %get3A_16 = vector.load %arg2[%get3A_13, %get3A_14, %get3A_15] : memref<2x16x128xf32, #tpu.memory_space<vmem>>, vector<1x16x128xf32>
    %get3A_17 = vector.shape_cast %get3A_16 : vector<1x16x128xf32> to vector<16x128xf32>
    %dot_general3A_18 = arith.constant dense<0.000000e+00> : vector<1000x128xf32>
    %dot_general3A_19 = tpu.matmul %get3A_1, %get3A_17, %dot_general3A_18 {dimension_numbers = #tpu.dot_dimension_numbers<[1], [0], [0], [1], [0, 0, 1, 1], [], []>, transpose_lhs_hint = false} : vector<1000x16xf32>, vector<16x128xf32>, vector<1000x128xf32> -> vector<1000x128xf32>
    %swap3A_20 = arith.constant 1 : index
    %swap3A_21 = arith.constant 0 : index
    %swap3A_22 = arith.constant 0 : index
    %swap3A_23 = vector.load %arg3[%swap3A_20, %swap3A_21, %swap3A_22] : memref<2x1000x128xf32, #tpu.memory_space<vmem>>, vector<1x1000x128xf32>
    %swap3A_24 = vector.shape_cast %swap3A_23 : vector<1x1000x128xf32> to vector<1000x128xf32>
    %swap3A_25 = vector.shape_cast %dot_general3A_19 : vector<1000x128xf32> to vector<1x1000x128xf32>
    tpu.vector_store %arg3[%swap3A_20, %swap3A_21, %swap3A_22], %swap3A_25 {strides = array<i32>} : memref<2x1000x128xf32, #tpu.memory_space<vmem>>, vector<1x1000x128xf32>,
    return
  }
  func.func @transform_0(%arg0: i32) -> (i32, i32) {
    %c0_i32 = arith.constant 0 : i32
    %c0_i32_0 = arith.constant 0 : i32
    return %arg0, %c0_i32 : i32, i32
  }
  func.func @transform_1(%arg0: i32) -> (i32, i32, i32) {
    %c0_i32 = arith.constant 0 : i32
    %c0_i32_0 = arith.constant 0 : i32
    %c0_i32_1 = arith.constant 0 : i32
    %c0_i32_2 = arith.constant 0 : i32
    return %c0_i32, %c0_i32_0, %c0_i32_1 : i32, i32, i32
  }
  func.func @transform_2(%arg0: i32) -> (i32, i32, i32) {
    %c0_i32 = arith.constant 0 : i32
    %c0_i32_0 = arith.constant 0 : i32
    %c0_i32_1 = arith.constant 0 : i32
    return %c0_i32, %arg0, %c0_i32_0 : i32, i32, i32
  }
}

module attributes {stable_mosaic.version = 14 : i64} {
  func.func @_gru_body(%arg0: i32, %arg1: memref<2x128x128xf32, #tpu.memory_space<vmem>>, %arg2: memref<128x128xf32, #tpu.memory_space<vmem>>, %arg3: memref<128x384xf32, #tpu.memory_space<vmem>>, %arg4: memref<128x384xf32, #tpu.memory_space<vmem>>, %arg5: memref<128x512xf32, #tpu.memory_space<vmem>>, %arg6: memref<1x384xf32, #tpu.memory_space<vmem>>, %arg7: memref<1x384xf32, #tpu.memory_space<vmem>>, %arg8: memref<1x512xf32, #tpu.memory_space<vmem>>, %arg9: memref<128x512xf32, #tpu.memory_space<vmem>>) attributes {dimension_semantics = [#tpu.dimension_semantics<arbitrary>], iteration_bounds = array<i64: 49>, scalar_prefetch = 0 : i64, scratch_operands = 0 : i64, tpu.core_type = #tpu.core_type<tc>, window_params = [{transform_indices = @transform_0, window_bounds = array<i64: 2, 128, 128>}, {transform_indices = @transform_1, window_bounds = array<i64: 128, 128>}, {pipeline_mode = #tpu.pipeline_mode<synchronous>, transform_indices = @transform_2, window_bounds = array<i64: 128, 384>}, {pipeline_mode = #tpu.pipeline_mode<synchronous>, transform_indices = @transform_3, window_bounds = array<i64: 128, 384>}, {pipeline_mode = #tpu.pipeline_mode<synchronous>, transform_indices = @transform_4, window_bounds = array<i64: 128, 512>}, {pipeline_mode = #tpu.pipeline_mode<synchronous>, transform_indices = @transform_5, window_bounds = array<i64: 1, 384>}, {pipeline_mode = #tpu.pipeline_mode<synchronous>, transform_indices = @transform_6, window_bounds = array<i64: 1, 384>}, {pipeline_mode = #tpu.pipeline_mode<synchronous>, transform_indices = @transform_7, window_bounds = array<i64: 1, 512>}, {transform_indices = @transform_8, window_bounds = array<i64: 128, 512>}]} {
    %get3A = arith.constant 0 : index
    %get3A_0 = arith.constant 0 : index
    %get3A_1 = arith.constant 0 : index
    %get3A_2 = vector.load %arg1[%get3A, %get3A_0, %get3A_1] : memref<2x128x128xf32, #tpu.memory_space<vmem>>, vector<1x128x128xf32>
    %get3A_3 = vector.shape_cast %get3A_2 : vector<1x128x128xf32> to vector<128x128xf32>
    %get3A_4 = arith.constant 1 : index
    %get3A_5 = arith.constant 0 : index
    %get3A_6 = arith.constant 0 : index
    %get3A_7 = vector.load %arg1[%get3A_4, %get3A_5, %get3A_6] : memref<2x128x128xf32, #tpu.memory_space<vmem>>, vector<1x128x128xf32>
    %get3A_8 = vector.shape_cast %get3A_7 : vector<1x128x128xf32> to vector<128x128xf32>
    %add3A = arith.addf %get3A_3, %get3A_8 : vector<128x128xf32>
    %get3A_9 = arith.constant 0 : index
    %get3A_10 = arith.constant 0 : index
    %get3A_11 = vector.load %arg2[%get3A_9, %get3A_10] : memref<128x128xf32, #tpu.memory_space<vmem>>, vector<128x128xf32>
    %get3A_12 = arith.constant 0 : index
    %get3A_13 = arith.constant 0 : index
    %get3A_14 = vector.load %arg3[%get3A_12, %get3A_13] : memref<128x384xf32, #tpu.memory_space<vmem>>, vector<128x384xf32>
    %dot_general3A = arith.constant dense<0.000000e+00> : vector<128x384xf32>
    %dot_general3A_15 = tpu.matmul %add3A, %get3A_14, %dot_general3A {dimension_numbers = #tpu.dot_dimension_numbers<[1], [0], [0], [1], [0, 0, 1, 1], [], []>, transpose_lhs_hint = false} : vector<128x128xf32>, vector<128x384xf32>, vector<128x384xf32> -> vector<128x384xf32>
    %get3A_16 = arith.constant 0 : index
    %get3A_17 = arith.constant 0 : index
    %get3A_18 = vector.load %arg6[%get3A_16, %get3A_17] : memref<1x384xf32, #tpu.memory_space<vmem>>, vector<1x384xf32>
    %add3A_19 = vector.broadcast %get3A_18 : vector<1x384xf32> to vector<128x384xf32>
    %add3A_20 = arith.addf %dot_general3A_15, %add3A_19 : vector<128x384xf32>
    %get3A_21 = arith.constant 0 : index
    %get3A_22 = arith.constant 0 : index
    %get3A_23 = vector.load %arg4[%get3A_21, %get3A_22] : memref<128x384xf32, #tpu.memory_space<vmem>>, vector<128x384xf32>
    %dot_general3A_24 = arith.constant dense<0.000000e+00> : vector<128x384xf32>
    %dot_general3A_25 = tpu.matmul %get3A_11, %get3A_23, %dot_general3A_24 {dimension_numbers = #tpu.dot_dimension_numbers<[1], [0], [0], [1], [0, 0, 1, 1], [], []>, transpose_lhs_hint = false} : vector<128x128xf32>, vector<128x384xf32>, vector<128x384xf32> -> vector<128x384xf32>
    %get3A_26 = arith.constant 0 : index
    %get3A_27 = arith.constant 0 : index
    %get3A_28 = vector.load %arg7[%get3A_26, %get3A_27] : memref<1x384xf32, #tpu.memory_space<vmem>>, vector<1x384xf32>
    %add3A_29 = vector.broadcast %get3A_28 : vector<1x384xf32> to vector<128x384xf32>
    %add3A_30 = arith.addf %dot_general3A_25, %add3A_29 : vector<128x384xf32>
    %slice3A = vector.extract_strided_slice %add3A_20 {offsets = [0, 0], sizes = [128, 128], strides = [1, 1]} : vector<128x384xf32> to vector<128x128xf32>
    %slice3A_31 = vector.extract_strided_slice %add3A_30 {offsets = [0, 0], sizes = [128, 128], strides = [1, 1]} : vector<128x384xf32> to vector<128x128xf32>
    %add3A_32 = arith.addf %slice3A, %slice3A_31 : vector<128x128xf32>
    %logistic3A = arith.negf %add3A_32 : vector<128x128xf32>
    %logistic3A_33 = math.exp %logistic3A : vector<128x128xf32>
    %logistic3A_34 = arith.constant 1.000000e+00 : f32
    %logistic3A_35 = vector.broadcast %logistic3A_34 : f32 to vector<128x128xf32>
    %logistic3A_36 = arith.addf %logistic3A_35, %logistic3A_33 : vector<128x128xf32>
    %logistic3A_37 = arith.divf %logistic3A_35, %logistic3A_36 : vector<128x128xf32>
    %slice3A_38 = vector.extract_strided_slice %add3A_20 {offsets = [0, 128], sizes = [128, 128], strides = [1, 1]} : vector<128x384xf32> to vector<128x128xf32>
    %slice3A_39 = vector.extract_strided_slice %add3A_30 {offsets = [0, 128], sizes = [128, 128], strides = [1, 1]} : vector<128x384xf32> to vector<128x128xf32>
    %add3A_40 = arith.addf %slice3A_38, %slice3A_39 : vector<128x128xf32>
    %logistic3A_41 = arith.negf %add3A_40 : vector<128x128xf32>
    %logistic3A_42 = math.exp %logistic3A_41 : vector<128x128xf32>
    %logistic3A_43 = arith.constant 1.000000e+00 : f32
    %logistic3A_44 = vector.broadcast %logistic3A_43 : f32 to vector<128x128xf32>
    %logistic3A_45 = arith.addf %logistic3A_44, %logistic3A_42 : vector<128x128xf32>
    %logistic3A_46 = arith.divf %logistic3A_44, %logistic3A_45 : vector<128x128xf32>
    %slice3A_47 = vector.extract_strided_slice %add3A_20 {offsets = [0, 256], sizes = [128, 128], strides = [1, 1]} : vector<128x384xf32> to vector<128x128xf32>
    %slice3A_48 = vector.extract_strided_slice %add3A_30 {offsets = [0, 256], sizes = [128, 128], strides = [1, 1]} : vector<128x384xf32> to vector<128x128xf32>
    %mul3A = arith.mulf %logistic3A_37, %slice3A_48 : vector<128x128xf32>
    %add3A_49 = arith.addf %slice3A_47, %mul3A : vector<128x128xf32>
    %tanh3A = math.tanh %add3A_49 : vector<128x128xf32>
    %sub3A = arith.constant 1.000000e+00 : f32
    %sub3A_50 = vector.broadcast %sub3A : f32 to vector<128x128xf32>
    %sub3A_51 = arith.subf %sub3A_50, %logistic3A_46 : vector<128x128xf32>
    %mul3A_52 = arith.mulf %sub3A_51, %tanh3A : vector<128x128xf32>
    %mul3A_53 = arith.mulf %logistic3A_46, %get3A_11 : vector<128x128xf32>
    %add3A_54 = arith.addf %mul3A_52, %mul3A_53 : vector<128x128xf32>
    %get3A_55 = arith.constant 0 : index
    %get3A_56 = arith.constant 0 : index
    %get3A_57 = vector.load %arg5[%get3A_55, %get3A_56] : memref<128x512xf32, #tpu.memory_space<vmem>>, vector<128x512xf32>
    %dot_general3A_58 = arith.constant dense<0.000000e+00> : vector<128x512xf32>
    %dot_general3A_59 = tpu.matmul %add3A_54, %get3A_57, %dot_general3A_58 {dimension_numbers = #tpu.dot_dimension_numbers<[1], [0], [0], [1], [0, 0, 1, 1], [], []>, transpose_lhs_hint = false} : vector<128x128xf32>, vector<128x512xf32>, vector<128x512xf32> -> vector<128x512xf32>
    %get3A_60 = arith.constant 0 : index
    %get3A_61 = arith.constant 0 : index
    %get3A_62 = vector.load %arg8[%get3A_60, %get3A_61] : memref<1x512xf32, #tpu.memory_space<vmem>>, vector<1x512xf32>
    %add3A_63 = vector.broadcast %get3A_62 : vector<1x512xf32> to vector<128x512xf32>
    %add3A_64 = arith.addf %dot_general3A_59, %add3A_63 : vector<128x512xf32>
    %swap3A = arith.constant 0 : index
    %swap3A_65 = arith.constant 0 : index
    %swap3A_66 = vector.load %arg9[%swap3A, %swap3A_65] : memref<128x512xf32, #tpu.memory_space<vmem>>, vector<128x512xf32>
    tpu.vector_store %arg9[%swap3A, %swap3A_65], %add3A_64 {strides = array<i32>} : memref<128x512xf32, #tpu.memory_space<vmem>>, vector<128x512xf32>,
    return
  }
  func.func @transform_0(%arg0: i32) -> (i32, i32, i32) {
    %c0_i32 = arith.constant 0 : i32
    %c0_i32_0 = arith.constant 0 : i32
    %c0_i32_1 = arith.constant 0 : i32
    return %c0_i32, %arg0, %c0_i32_0 : i32, i32, i32
  }
  func.func @transform_1(%arg0: i32) -> (i32, i32) {
    %c0_i32 = arith.constant 0 : i32
    %c0_i32_0 = arith.constant 0 : i32
    return %arg0, %c0_i32 : i32, i32
  }
  func.func @transform_2(%arg0: i32) -> (i32, i32) {
    %c0_i32 = arith.constant 0 : i32
    %c0_i32_0 = arith.constant 0 : i32
    %c0_i32_1 = arith.constant 0 : i32
    return %c0_i32, %c0_i32_0 : i32, i32
  }
  func.func @transform_3(%arg0: i32) -> (i32, i32) {
    %c0_i32 = arith.constant 0 : i32
    %c0_i32_0 = arith.constant 0 : i32
    %c0_i32_1 = arith.constant 0 : i32
    return %c0_i32, %c0_i32_0 : i32, i32
  }
  func.func @transform_4(%arg0: i32) -> (i32, i32) {
    %c0_i32 = arith.constant 0 : i32
    %c0_i32_0 = arith.constant 0 : i32
    %c0_i32_1 = arith.constant 0 : i32
    return %c0_i32, %c0_i32_0 : i32, i32
  }
  func.func @transform_5(%arg0: i32) -> (i32, i32) {
    %c0_i32 = arith.constant 0 : i32
    %c0_i32_0 = arith.constant 0 : i32
    %c0_i32_1 = arith.constant 0 : i32
    return %c0_i32, %c0_i32_0 : i32, i32
  }
  func.func @transform_6(%arg0: i32) -> (i32, i32) {
    %c0_i32 = arith.constant 0 : i32
    %c0_i32_0 = arith.constant 0 : i32
    %c0_i32_1 = arith.constant 0 : i32
    return %c0_i32, %c0_i32_0 : i32, i32
  }
  func.func @transform_7(%arg0: i32) -> (i32, i32) {
    %c0_i32 = arith.constant 0 : i32
    %c0_i32_0 = arith.constant 0 : i32
    %c0_i32_1 = arith.constant 0 : i32
    return %c0_i32, %c0_i32_0 : i32, i32
  }
  func.func @transform_8(%arg0: i32) -> (i32, i32) {
    %c0_i32 = arith.constant 0 : i32
    %c0_i32_0 = arith.constant 0 : i32
    return %arg0, %c0_i32 : i32, i32
  }
}

</mosaic_0001>

<sc_bundles>
// kernel: kernel.5.cloned.1.call-start
scs
__scs_entry_jumppad:
0x0: {  	(pc) =	sbr.rel $0x88, $3  }
0x1: {  	(tag) =	ssettag $0x0;
	lr =	simm.s32 $0x1  }
0x2: {  	[smem:$0x3F97] =	sst lr;
	_ =	strace $0xD0000000  }
0x3: {  	_ = 	snop  }
0x4: {  	_ = 	snop  }
0x5: {  	_ = 	snop  }
0x6: {  	_ = 	snop  }
0x7: {  	_ = 	snop  }
__scs_overlays_trampoline_lowered:
0x8: {  	[smem:$0x3FA6] =	sst s0  }
0x9: {  	[smem:$0x3FA7] =	sst s1  }
0xa: {  	[smem:$0x3FA8] =	sst s2  }
0xb: {  	[smem:$0x3FA9] =	sst s3  }
0xc: {  	[smem:$0x3FAA] =	sst s4  }
0xd: {  	[smem:$0x3FAB] =	sst s5  }
0xe: {  	[smem:$0x3FAC] =	sst s6  }
0xf: {  	[smem:$0x3FAD] =	sst s7  }
0x10: {  	[smem:$0x3FAE] =	sst s8  }
0x11: {  	[smem:$0x3FAF] =	sst s9;
	s0 =	simm.s32 @!p0 $0x0  }
0x12: {  	s1 =	sld [smem:$0x3F95];
	s0 =	simm.s32 @p0 $0x1  }
0x13: {  	[smem:$0x3FB0] =	sst s0;
	s0 =	simm.s32 @!p1 $0x0  }
0x14: {  	s2 =	sld [smem:$0x3F94];
	s0 =	simm.s32 @p1 $0x1  }
0x15: {  	[smem:$0x3FB1] =	sst s0;
	s0 =	simm.s32 @!p2 $0x0  }
0x16: {  	s3 =	sld [smem:$0x3FDB];
	s0 =	simm.s32 @p2 $0x1  }
0x17: {  	s4 =	simm.s32 $0x1BF5;
	[smem:$0x3FB3] =	sst s0  }
0x18: {  	s0 =	sld [smem:$0x3F96];
	_ =	swait.ge [sflag:s4], $0x0  }
0x19: {  	s7 =	sld [smem:$0x3F97]  }
0x1a: {  	s8 =	sadd.s32 $0xFFFFE003, lr  }
0x1b: {  	s9 =	sadd.s32 $0xFFFFFEF7, lr;
	s5 =	simm.s32 $0xFFFFFFFF;
	p2 =	slt.u32 s8, $0xFFFFF086  }
0x1c: {  	p1 =	slt.u32 s9, $0xF7A;
	s5 =	simm.s32 @!p2 $0x0  }
0x1d: {  	s5 =	simm.s32 @p1 $0x1;
	p0 =	seq.s32 s7, s2  }
0x1e: {  	s7 =	smul.u32 @!p0 $0xF7A, s2;
	p2 =	seq.s32 @!p0 s5, $0x0  }
0x1f: {  	s9 =	smul.u32 $0xF7A, s1;
	s8 =	simm.s32 @!p0 $0x1BF5;
	p2 =	por !p2, p0  }
0x20: {  	[sflag:s8] =	ssyncset.s32 @!p0 $0xFFFFF086;
	s6 =	sadd.s32 @!p0 s3, s7;
	s7 =	simm.s32 @!p0 $0x108  }
0x21: {  	s3 =	sadd.s32 s3, s9;
	s6 =	sadd.s32 @!p0 $0x88, s6;
	s7 =	simm.s32 @p2 $0x1082  }
0x22: {  	[simem:s7], [sflag:s8] =	dma.local @!p0 [hbm:s6], $0xF7A  }
0x23: {  	s9 =	sor.u32 $0xD0000000, s2;
	s6 =	simm.s32 $0x108;
	_ =	swait.ge @!p0 [sflag:s8], $0x0  }
0x24: {  	s3 =	sadd.s32 $0x88, s3;
	s6 =	simm.s32 @!p1 $0x1082;
	[sflag:s4] =	ssyncset.s32 $0xFFFFF086  }
0x25: {  	[simem:s6], [sflag:s4] =	dma.local [hbm:s3], $0xF7A  }
0x26: {  	[smem:$0x3F97] =	sst s1;
	(tag) =	ssettag s2;
	_ =	strace s9  }
0x27: {  	s1 =	sld [smem:$0x3FA7]  }
0x28: {  	s2 =	sld [smem:$0x3FA8]  }
0x29: {  	s4 =	sld [smem:$0x3FAA]  }
0x2a: {  	p0 =	seq.s32 s5, $0x0;
	s5 =	sld [smem:$0x3FAB]  }
0x2b: {  	s6 =	sld [smem:$0x3FAC]  }
0x2c: {  	s7 =	sld [smem:$0x3FAD]  }
0x2d: {  	s3 =	simm.s32 $0x108;
	s8 =	sld [smem:$0x3FAE]  }
0x2e: {  	s3 =	simm.s32 @!p0 $0x1082;
	s9 =	sld [smem:$0x3FAF]  }
0x2f: {  	lr =	sadd.s32 s0, s3;
	s0 =	sld [smem:$0x3FA6]  }
0x30: {  	s3 =	sld [smem:$0x3FA9]  }
0x31: {  	[smem:$0x3FB2] =	sst s10  }
0x32: {  	s10 =	sld [smem:$0x3FB0];
	_ =	sdelay $0x3  }
0x33: {  	p0 =	seq.s32 s10, $0x1;
	s10 =	sld [smem:$0x3FB2];
	_ =	sdelay $0x3  }
0x34: {  	[smem:$0x3FB2] =	sst s10  }
0x35: {  	s10 =	sld [smem:$0x3FB1];
	_ =	sdelay $0x3  }
0x36: {  	p1 =	seq.s32 s10, $0x1;
	s10 =	sld [smem:$0x3FB2];
	_ =	sdelay $0x3  }
0x37: {  	[smem:$0x3FB2] =	sst s10  }
0x38: {  	s10 =	sld [smem:$0x3FB3]  }
0x39: {  	_ = 	snop;
	(pc) =	sbr.ind lr, $3  }
0x3a: {  	_ = 	snop  }
0x3b: {  	_ = 	snop  }
0x3c: {  	p2 =	seq.s32 s10, $0x1;
	s10 =	sld [smem:$0x3FB2]  }
0x3d: {  	_ =	shalt  }
0x3e: {  	_ =	shalt  }
0x3f: {  	_ =	shalt  }
0x40: {  	_ =	shalt  }
0x41: {  	_ =	shalt  }
0x42: {  	_ =	shalt  }
0x43: {  	_ =	shalt  }
0x44: {  	_ =	shalt  }
0x45: {  	_ =	shalt  }
0x46: {  	_ =	shalt  }
0x47: {  	_ =	shalt  }
0x48: {  	_ =	shalt  }
0x49: {  	_ =	shalt  }
0x4a: {  	_ =	shalt  }
0x4b: {  	_ =	shalt  }
0x4c: {  	_ =	shalt  }
0x4d: {  	_ =	shalt  }
0x4e: {  	_ =	shalt  }
0x4f: {  	_ =	shalt  }
0x50: {  	_ =	shalt  }
0x51: {  	_ =	shalt  }
0x52: {  	_ =	shalt  }
0x53: {  	_ =	shalt  }
0x54: {  	_ =	shalt  }
0x55: {  	_ =	shalt  }
0x56: {  	_ =	shalt  }
0x57: {  	_ =	shalt  }
0x58: {  	_ =	shalt  }
0x59: {  	_ =	shalt  }
0x5a: {  	_ =	shalt  }
0x5b: {  	_ =	shalt  }
0x5c: {  	_ =	shalt  }
0x5d: {  	_ =	shalt  }
0x5e: {  	_ =	shalt  }
0x5f: {  	_ =	shalt  }
0x60: {  	_ =	shalt  }
0x61: {  	_ =	shalt  }
0x62: {  	_ =	shalt  }
0x63: {  	_ =	shalt  }
0x64: {  	_ =	shalt  }
0x65: {  	_ =	shalt  }
0x66: {  	_ =	shalt  }
0x67: {  	_ =	shalt  }
0x68: {  	_ =	shalt  }
0x69: {  	_ =	shalt  }
0x6a: {  	_ =	shalt  }
0x6b: {  	_ =	shalt  }
0x6c: {  	_ =	shalt  }
0x6d: {  	_ =	shalt  }
0x6e: {  	_ =	shalt  }
0x6f: {  	_ =	shalt  }
0x70: {  	_ =	shalt  }
0x71: {  	_ =	shalt  }
0x72: {  	_ =	shalt  }
0x73: {  	_ =	shalt  }
0x74: {  	_ =	shalt  }
0x75: {  	_ =	shalt  }
0x76: {  	_ =	shalt  }
0x77: {  	_ =	shalt  }
0x78: {  	_ =	shalt  }
0x79: {  	_ =	shalt  }
0x7a: {  	_ =	shalt  }
0x7b: {  	_ =	shalt  }
0x7c: {  	_ =	shalt  }
0x7d: {  	_ =	shalt  }
0x7e: {  	_ =	shalt  }
0x7f: {  	_ =	shalt  }
0x80: {  	_ =	shalt  }
0x81: {  	_ =	shalt  }
0x82: {  	_ =	shalt  }
0x83: {  	_ =	shalt  }
0x84: {  	_ =	shalt  }
0x85: {  	_ =	shalt  }
0x86: {  	_ =	shalt  }
0x87: {  	_ =	shalt  }
.Lfunc_end0:
.L_simem_size_0:
called_computation_lowered:
.L_overlay_start_0:
0x88: {  	s2 =	sld [smem:$0x3FD9]  }
0x89: {  	s3 =	sld [smem:$0x3FFE];
	_ =	sdelay $0x1  }
0x8a: {  	s1 =	srdreg.scid  }
0x8b: {  	s0 =	sand.u32 $0x1, s1  }
0x8c: {  	s17 =	sshll.u32 s0, $0xA;
	s2 =	sadd.s32 s3, s2  }
0x8d: {  	s2 =	sadd.s32 s2, s17  }
0x8e: {  	[smem:$0x3FBE] =	sst s2  }
0x8f: {  	_ = 	snop  }
0x90: {  	s2 =	sld [smem:$0x3FD0];
	(tm) =	ssettm $0x1  }
0x91: {  	s18 =	sld [smem:$0x3FFB];
	_ =	sdelay $0x3  }
0x92: {  	_ =	strace s18  }
0x93: {  	s3 =	sld [smem:$0x3FFC];
	_ =	sdelay $0x3  }
0x94: {  	_ =	strace s3  }
0x95: {  	s3 =	sld [smem:$0x3FFD];
	_ =	sdelay $0x3  }
0x96: {  	_ =	strace s3  }
0x97: {  	_ =	strace $0x8FFFFFFF  }
0x98: {  	s19 =	sld [smem:$0x3FDB];
	_ =	sdelay $0x1  }
0x99: {  	s4 =	simm.s32 $_scs_section_size  }
0x9a: {  	s5 =	simm.s32 $_size__tile_overlayer_lowered;
	s6 =	simm.s32 $_tile_overlayer_lowered  }
0x9b: {  	s22 =	simm.s32 $0x1BFF;
	s21 =	sshll.u32 s6, $0x1;
	s3 =	sadd.s32 s4, s19  }
0x9c: {  	s7 =	simm.s32 $0x0;
	s20 =	sshll.u32 s5, $0x1;
	s5 =	sadd.s32 s21, s3  }
0x9d: {  	[timem:s7], [sflag:s22] =	dma.local [hbm:s5], s20  }
0x9e: {  	_ =	swait.ge [sflag:s22], s20  }
0x9f: {  	s4 =	ssub.s32 $0x0, s20;
	[sflag:s22] =	ssyncset.done $0x0  }
0xa0: {  	[sflag:s22] =	ssyncadd.s32 s4;
	_ =	sdelay $0x1  }
0xa1: {  	s23 =	simm.s32 $0x1B8B  }
0xa2: {  	_ =	swait.ge [sflag:s23], $0x1  }
0xa3: {  	[sflag:s23] =	ssyncset.done $0x0  }
0xa4: {  	s25 =	simm.s32 $0x1B8E;
	s24 =	sld [smem:$0x3FFE];
	[sflag:s23] =	ssyncadd.s32 $0xFFFFFFFF  }
0xa5: {  	s26 =	simm.s32 $execute0_lowered;
	[smem:$0x3FD2] =	sst s25  }
0xa6: {  	s5 =	sshll.u32 s26, $0x1;
	_ =	strace $0x80000046;
	[dreg:$0x1] =	wrdreg $0xFFFFFFFF  }
0xa7: {  	s28 =	simm.s32 $_size_execute0_lowered;
	s3 =	sadd.s32 s3, s5;
	[dreg:$0x0] =	wrdreg $0x0  }
0xa8: {  	s5 =	sshll.u32 s28, $0x1;
	[dreg:$0x2] =	wrdreg s3  }
0xa9: {  	[dreg:$0x3] =	wrdreg s5  }
0xaa: {  	[dreg:$0x4] =	wrdreg $0xC0  }
0xab: {  	_ =	task [dreg:s7], $0x5FFFF  }
0xac: {  	[dreg:$0x1] =	wrdreg $0xFFFFFFFF  }
0xad: {  	[dreg:$0x0] =	wrdreg $0x60  }
0xae: {  	[dreg:$0x2] =	wrdreg s24  }
0xaf: {  	[dreg:$0x3] =	wrdreg s2  }
0xb0: {  	[dreg:$0x4] =	wrdreg $0x66000  }
0xb1: {  	[dreg:$0x5] =	wrdreg $0x9  }
0xb2: {  	_ =	task.clear_ibuf [dreg:s7], $0x6FFFF;
	_ =	strace $0x90000046  }
0xb3: {  	s29 =	simm.s32 $0x9;
	_ =	strace $0x80000048  }
0xb4: {  	_ =	swait.ge [sflag:s29], $0x1  }
0xb5: {  	[sflag:s29] =	ssyncadd.s32 $0xFFFFFFFF  }
0xb6: {  	_ =	strace $0x90000048  }
0xb7: {  	_ =	sfence  }
0xb8: {  	s30 =	sld [smem:$0x0];
	_ =	sdelay $0x2  }
0xb9: {  	s31 =	sshll.u32 s1, $0xD;
	s1 =	sshrl.u32 s1, $0x2  }
0xba: {  	s3 =	sand.u32 $0x4000, s31;
	s1 =	sadd.s32 s1, s30  }
0xbb: {  	s0 =	sor.u32 s3, s0;
	s1 =	sshll.u32 s1, $0x11  }
0xbc: {  	s0 =	sor.u32 s1, s0  }
0xbd: {  	s0 =	sadd.s32 $0x8F2B, s0  }
0xbe: {  	[sflag:s0] =	ssyncadd.remote.s32 $0x1  }
0xbf: {  	_ =	sfence.sel $0xFFFF  }
0xc0: {  	[dreg:$0x0] =	wrdreg $0xFFFFFFFF;
	(pc) =	sbr.abs _section_cstart, $3  }
0xc1: {  	[dreg:$0x1] =	wrdreg $0xFFFFFFFF  }
0xc2: {  	_ =	task.clear_ibuf [dreg:s7], $0x2FFFF;
	_ =	strace $0x9FFFFFFF  }
0xc3: {  	(tm) =	ssettm $0x7FFFFFFF  }
tec
execute0_lowered:
.L_overlay_start_1:
0x0: {  	(tag) =	ssettag $0x1  }
0x1: {  	s0 =	rddreg [dreg:$0x0]  }
0x2: {  	s3 =	rddreg [dreg:$0x2];
	s15 =	simm.s32 $0x0;
	s12 =	stileid.u32  }
0x3: {  	s1 =	srdreg.scid;
	s17 =	simm.s32 $0x80;
	s19 =	simm.s32 $0x4600  }
0x4: {  	s20 =	simm.s32 $0x2A80;
	s28 =	simm.s32 $0x2;
	s29 =	simm.s32 $0x3  }
0x5: {  	s30 =	simm.s32 $0x4;
	s31 =	simm.s32 $0x5;
	s13 =	simm.s32 $0x4480  }
0x6: {  	s14 =	simm.s32 $0x4580;
	s18 =	simm.s32 $0x1C00;
	s2 =	smul.u32 $0xC380, s12  }
0x7: {  	[smem:$0x7FF] =	sst s15;
	s1 =	sand.u32 $0x1, s1;
	s9 =	smul.u32 $0x4600, s12  }
0x8: {  	s5 =	sadd.s32 $0xDF600, s0;
	s6 =	sadd.s32 $0xC6E00, s0;
	s11 =	smul.u32 $0x7E00, s12  }
0x9: {  	s25 =	sshll.u32 s12, $0x6;
	s12 =	simm.s32 $0x4400;
	_ =	strace $0x80000047  }
0xa: {  	s4 =	smul.u32 $0xC3800, s1;
	s21 =	ssub.s32 $0x2, s1;
	p0 =	seq.s32 s1, $0x0  }
0xb: {  	s16 =	sor.u32 $0x1C09, s25;
	s25 =	simm.s32 $0x5E00;
	s1 =	simm.s32 $0x7  }
0xc: {  	s7 =	sshrl.u32 s2, $0x3;
	s8 =	sshrl.u32 s21, $0x1;
	s23 =	sadd.s32 s2, s3  }
0xd: {  	[dreg:$0x6] =	wrdreg s16;
	s10 =	sadd.s32 s7, s0;
	s4 =	sadd.s32 s2, s4  }
0xe: {  	s22 =	ssub.s32 s21, s8;
	s7 =	sadd.s32 $0x7E000, s9;
	s8 =	simm.s32 $0x9  }
0xf: {  	s9 =	simm.s32 $0x9;
	s21 =	simm.s32 $0x4E00;
	s4 =	sshrl.u32 s4, $0x3  }
0x10: {  	s7 =	smov.u32 @p0 s11;
	s8 =	simm.s32 @!p0 $0x5;
	s24 =	sadd.s32 $0x266000, s10  }
0x11: {  	s26 =	smax.u32 s22, $0x1;
	s22 =	simm.s32 $0x2B00;
	s10 =	simm.s32 $0x8  }
0x12: {  	s11 =	simm.s32 $0x4500;
	s0 =	sadd.s32 s4, s0;
	[dreg:$0x5] =	wrdreg s24  }
0x13: {  	[dreg:$0x8] =	wrdreg s26;
	s4 =	sshrl.u32 s23, $0x3;
	s23 =	simm.s32 $0x5600  }
0x14: {  	s24 =	simm.s32 $0x2B80;
	s0 =	sadd.s32 $0x27E800, s0;
	[dreg:$0x9] =	wrdreg s4  }
0x15: {  	s26 =	simm.s32 $0x1;
	[dreg:$0x7] =	wrdreg s0;
	s0 =	simm.s32 $0x6  }
.LBB2_1:
0x16: {  	[dreg:$0x4] =	wrdreg s15  }
0x17: {  	s2 =	rddreg [dreg:$0x5]  }
0x18: {  	[spmem:s4], [sflag:s16] =	dma.local [hbm:s2], $0x1870  }
0x19: {  	_ =	swait.ge [sflag:s9], $0x1870  }
0x1a: {  	[sflag:s9] =	ssyncset.done $0x0  }
0x1b: {  	[sflag:s9] =	ssyncadd.s32 $0xFFFFE790  }
0x1c: {  	s4 =	simm.s32 $0x0;
	[bflag:$0x0] =	sbarrier.arrive $0xFFFF  }
.LBB2_2:
0x1d: {  	s2 =	smul.u32 $0xE00, s4;
	_ =	sdelay $0x1  }
0x1e: {  	s2 =	sadd.s32 s7, s2  }
0x1f: {  	s15 =	rddreg [dreg:$0x1];
	s2 =	sshrl.u32 s2, $0x3  }
0x20: {  	s16 =	simm.s32 $0x0;
	s15 =	sadd.s32 s15, s2  }
0x21: {  	[tilespmem:s16], [sflag:$0x9] =	stream.linear.gather [hbm4b:s15+s16], $0xE00, $0x38;
	[tilespmem:$0x12980] =	vst v63  }
0x22: {  	_ =	swait.ge [sflag:s9], $0xE00  }
0x23: {  	[sflag:s9] =	ssyncset.done $0x0  }
0x24: {  	s15 =	sadd.s32 $0x18800, s15;
	[sflag:s9] =	ssyncadd.s32 $0xFFFFF200  }
0x25: {  	[tilespmem:s18], [sflag:$0x9] =	stream.linear.gather [hbm4b:s15+s16], $0xE00, $0x38;
	[tilespmem:$0x12980] =	vst v63  }
0x26: {  	_ =	swait.ge [sflag:s9], $0xE00  }
0x27: {  	[sflag:s9] =	ssyncset.done $0x0  }
0x28: {  	s2 =	sadd.s32 s6, s2;
	s15 =	simm.s32 $0xE00;
	[sflag:s9] =	ssyncadd.s32 $0xFFFFF200  }
0x29: {  	[tilespmem:s15], [sflag:$0x9] =	stream.linear.gather [hbm4b:s2+s16], $0xE00, $0x38;
	[tilespmem:$0x12980] =	vst v63  }
0x2a: {  	_ =	swait.ge [sflag:s9], $0xE00  }
0x2b: {  	[sflag:s9] =	ssyncset.done $0x0  }
0x2c: {  	s2 =	simm.s32 $0x0;
	[sflag:s9] =	ssyncadd.s32 $0xFFFFF200  }
0x2d: {  	v0 =	vld [tilespmem:s2+$0xE00]  }
0x2e: {  	v2 =	vld [tilespmem:s2+$0x0]  }
0x2f: {  	v1 =	vld [tilespmem:s2+$0x1C00]  }
0x30: {  	s15 =	simm.s32 $0x40  }
.LBB2_3:
0x31: {  	p0 =	sne.s32 s15, $0x37C0  }
.Ltmp0:
0x32: {  	s16 =	sshra.s32 s15, $0x2;
	s15 =	sadd.s32 $0x40, s15;
	v3 =	vshrl.u32 v0, $0x3;
	(pc) =	sbr.rel @p0 .LBB2_3-.Ltmp0, $4  }
0x33: {  	v5 =	vand.u32 $0x7, v0;
	v4 =	vshll.u32 v2, $0x3;
	v0 =	vld [tilespmem:s16+$0xE00];
	v3 =	vmul.u32 $0x61A80, v3  }
0x34: {  	v2 =	vld [tilespmem:s16+$0x0];
	v4 =	vor.u32 v4, v5;
	[tilespmem:s2+$0x3800] =	vst v1  }
0x35: {  	v1 =	vld [tilespmem:s16+$0x1C00];
	v3 =	vadd.s32 v3, v4  }
0x36: {  	[tilespmem:s2+$0x2A00] =	vst v3;
	s2 =	smov.u32 s16  }
0x37: {  	_ = 	snop  }
0x38: {  	v3 =	vshrl.u32 v0, $0x3  }
0x39: {  	v63 =	vand.u32 $0x7, v0;
	v2 =	vshll.u32 v2, $0x3;
	v3 =	vmul.u32 $0x61A80, v3  }
0x3a: {  	v0 =	vor.u32 v2, v63  }
0x3b: {  	[tilespmem:s2+$0x3800] =	vst v1;
	v0 =	vadd.s32 v3, v0  }
0x3c: {  	s15 =	simm.s32 $0x2A00;
	[tilespmem:s2+$0x2A00] =	vst v0  }
0x3d: {  	[tilespmem:s19], [sflag:$0x1] =	stream.indirect.gather [hbm4b:s5+s17], $0x10, s15, s17, $0xb8;
	[tilespmem:$0x12980] =	vst v63  }
0x3e: {  	_ = 	snop  }
0x3f: {  	[tilespmem:s21], [sflag:$0x2] =	stream.indirect.gather [hbm4b:s5+s17], $0x10, s20, s17, $0xb8;
	[tilespmem:$0x12980] =	vst v63  }
0x40: {  	_ = 	snop  }
0x41: {  	[tilespmem:s23], [sflag:$0x3] =	stream.indirect.gather [hbm4b:s5+s17], $0x10, s22, s17, $0xb8;
	[tilespmem:$0x12980] =	vst v63  }
0x42: {  	_ = 	snop  }
0x43: {  	[tilespmem:s25], [sflag:$0x4] =	stream.indirect.gather [hbm4b:s5+s17], $0x10, s24, s17, $0xb8;
	[tilespmem:$0x12980] =	vst v63  }
0x44: {  	_ =	swait.ge [sflag:s26], $0x800  }
0x45: {  	[sflag:s26] =	ssyncset.done $0x0  }
0x46: {  	s16 =	simm.s32 $0x3800;
	[sflag:s26] =	ssyncadd.s32 $0xFFFFF800  }
0x47: {  	[spmem:s3] =	stream.indirect.scatter.add.f32 [tilespmem:s19], [sflag:$0x5], $0x10, s16, s17, $0xb8;
	[tilespmem:$0x12980] =	vst v63  }
0x48: {  	_ =	swait.ge [sflag:s28], $0x800  }
0x49: {  	[sflag:s28] =	ssyncset.done $0x0  }
0x4a: {  	s15 =	simm.s32 $0x3880;
	[sflag:s28] =	ssyncadd.s32 $0xFFFFF800  }
0x4b: {  	[spmem:s3] =	stream.indirect.scatter.add.f32 [tilespmem:s21], [sflag:$0x6], $0x10, s15, s17, $0xb8;
	[tilespmem:$0x12980] =	vst v63  }
0x4c: {  	_ =	swait.ge [sflag:s29], $0x800  }
0x4d: {  	[sflag:s29] =	ssyncset.done $0x0  }
0x4e: {  	s16 =	simm.s32 $0x3900;
	[sflag:s29] =	ssyncadd.s32 $0xFFFFF800  }
0x4f: {  	[spmem:s3] =	stream.indirect.scatter.add.f32 [tilespmem:s23], [sflag:$0x7], $0x10, s16, s17, $0xb8;
	[tilespmem:$0x12980] =	vst v63  }
0x50: {  	_ =	swait.ge [sflag:s30], $0x800  }
0x51: {  	[sflag:s30] =	ssyncset.done $0x0  }
0x52: {  	s15 =	simm.s32 $0x3980;
	[sflag:s30] =	ssyncadd.s32 $0xFFFFF800  }
0x53: {  	[spmem:s3] =	stream.indirect.scatter.add.f32 [tilespmem:s25], [sflag:$0x8], $0x10, s15, s17, $0xb8;
	[tilespmem:$0x12980] =	vst v63  }
0x54: {  	_ =	swait.ge [sflag:s31], $0x800  }
0x55: {  	[sflag:s31] =	ssyncset.done $0x0  }
0x56: {  	s16 =	simm.s32 $0x2C00;
	[sflag:s31] =	ssyncadd.s32 $0xFFFFF800  }
0x57: {  	[tilespmem:s19], [sflag:$0x1] =	stream.indirect.gather [hbm4b:s5+s17], $0x10, s16, s17, $0xb8;
	[tilespmem:$0x12980] =	vst v63  }
0x58: {  	_ =	swait.ge [sflag:s0], $0x800  }
0x59: {  	[sflag:s0] =	ssyncset.done $0x0  }
0x5a: {  	s15 =	simm.s32 $0x2C80;
	[sflag:s0] =	ssyncadd.s32 $0xFFFFF800  }
0x5b: {  	[tilespmem:s21], [sflag:$0x2] =	stream.indirect.gather [hbm4b:s5+s17], $0x10, s15, s17, $0xb8;
	[tilespmem:$0x12980] =	vst v63  }
0x5c: {  	_ =	swait.ge [sflag:s1], $0x800  }
0x5d: {  	[sflag:s1] =	ssyncset.done $0x0  }
0x5e: {  	s16 =	simm.s32 $0x2D00;
	[sflag:s1] =	ssyncadd.s32 $0xFFFFF800  }
0x5f: {  	[tilespmem:s23], [sflag:$0x3] =	stream.indirect.gather [hbm4b:s5+s17], $0x10, s16, s17, $0xb8;
	[tilespmem:$0x12980] =	vst v63  }
0x60: {  	_ =	swait.ge [sflag:s10], $0x800  }
0x61: {  	[sflag:s10] =	ssyncset.done $0x0  }
0x62: {  	s2 =	simm.s32 $0x800;
	s15 =	simm.s32 $0x2D80;
	[sflag:s10] =	ssyncadd.s32 $0xFFFFF800  }
.LBB2_5:
0x63: {  	[tilespmem:s25], [sflag:$0x4] =	stream.indirect.gather [hbm4b:s5+s17], $0x10, s15, s17, $0xb8;
	[tilespmem:$0x12980] =	vst v63  }
0x64: {  	s15 =	smov.u32 s2  }
0x65: {  	p0 =	sne.s32 s2, $0x2800;
	s2 =	sadd.s32 $0x800, s2;
	_ =	swait.ge [sflag:s26], $0x800  }
0x66: {  	s15 =	sshra.s32 s15, $0x2;
	[sflag:s26] =	ssyncset.done $0x0  }
0x67: {  	s16 =	sadd.s32 $0x3800, s15;
	[sflag:s26] =	ssyncadd.s32 $0xFFFFF800  }
0x68: {  	[spmem:s3] =	stream.indirect.scatter.add.f32 [tilespmem:s19], [sflag:$0x5], $0x10, s16, s17, $0xb8;
	[tilespmem:$0x12980] =	vst v63  }
0x69: {  	_ =	swait.ge [sflag:s28], $0x800  }
0x6a: {  	[sflag:s28] =	ssyncset.done $0x0  }
0x6b: {  	s16 =	sadd.s32 $0x3880, s15;
	[sflag:s28] =	ssyncadd.s32 $0xFFFFF800  }
0x6c: {  	[spmem:s3] =	stream.indirect.scatter.add.f32 [tilespmem:s21], [sflag:$0x6], $0x10, s16, s17, $0xb8;
	[tilespmem:$0x12980] =	vst v63  }
0x6d: {  	_ =	swait.ge [sflag:s29], $0x800  }
0x6e: {  	[sflag:s29] =	ssyncset.done $0x0  }
0x6f: {  	s16 =	sadd.s32 $0x3900, s15;
	[sflag:s29] =	ssyncadd.s32 $0xFFFFF800  }
0x70: {  	[spmem:s3] =	stream.indirect.scatter.add.f32 [tilespmem:s23], [sflag:$0x7], $0x10, s16, s17, $0xb8;
	[tilespmem:$0x12980] =	vst v63  }
0x71: {  	_ =	swait.ge [sflag:s30], $0x800  }
0x72: {  	[sflag:s30] =	ssyncset.done $0x0  }
0x73: {  	s16 =	sadd.s32 $0x3980, s15;
	[sflag:s30] =	ssyncadd.s32 $0xFFFFF800  }
0x74: {  	[spmem:s3] =	stream.indirect.scatter.add.f32 [tilespmem:s25], [sflag:$0x8], $0x10, s16, s17, $0xb8;
	[tilespmem:$0x12980] =	vst v63  }
0x75: {  	_ =	swait.ge [sflag:s31], $0x800  }
0x76: {  	[sflag:s31] =	ssyncset.done $0x0  }
0x77: {  	s16 =	sadd.s32 $0x2C00, s15;
	[sflag:s31] =	ssyncadd.s32 $0xFFFFF800  }
0x78: {  	[tilespmem:s19], [sflag:$0x1] =	stream.indirect.gather [hbm4b:s5+s17], $0x10, s16, s17, $0xb8;
	[tilespmem:$0x12980] =	vst v63  }
0x79: {  	_ =	swait.ge [sflag:s0], $0x800  }
0x7a: {  	[sflag:s0] =	ssyncset.done $0x0  }
0x7b: {  	s16 =	sadd.s32 $0x2C80, s15;
	[sflag:s0] =	ssyncadd.s32 $0xFFFFF800  }
0x7c: {  	[tilespmem:s21], [sflag:$0x2] =	stream.indirect.gather [hbm4b:s5+s17], $0x10, s16, s17, $0xb8;
	[tilespmem:$0x12980] =	vst v63  }
0x7d: {  	_ =	swait.ge [sflag:s1], $0x800  }
0x7e: {  	[sflag:s1] =	ssyncset.done $0x0  }
.Ltmp1:
0x7f: {  	s16 =	sadd.s32 $0x2D00, s15;
	[sflag:s1] =	ssyncadd.s32 $0xFFFFF800;
	(pc) =	sbr.rel @p0 .LBB2_5-.Ltmp1, $4  }
0x80: {  	[tilespmem:s23], [sflag:$0x3] =	stream.indirect.gather [hbm4b:s5+s17], $0x10, s16, s17, $0xb8;
	[tilespmem:$0x12980] =	vst v63  }
0x81: {  	_ =	swait.ge [sflag:s10], $0x800  }
0x82: {  	[sflag:s10] =	ssyncset.done $0x0  }
0x83: {  	s15 =	sadd.s32 $0x2D80, s15;
	[sflag:s10] =	ssyncadd.s32 $0xFFFFF800  }
0x84: {  	[tilespmem:s25], [sflag:$0x4] =	stream.indirect.gather [hbm4b:s5+s17], $0x10, s15, s17, $0xb8;
	[tilespmem:$0x12980] =	vst v63  }
0x85: {  	_ =	swait.ge [sflag:s26], $0x800  }
0x86: {  	[sflag:s26] =	ssyncset.done $0x0  }
0x87: {  	[sflag:s26] =	ssyncadd.s32 $0xFFFFF800  }
0x88: {  	[spmem:s3] =	stream.indirect.scatter.add.f32 [tilespmem:s19], [sflag:$0x5], $0x10, s12, s17, $0xb8;
	[tilespmem:$0x12980] =	vst v63  }
0x89: {  	_ =	swait.ge [sflag:s28], $0x800  }
0x8a: {  	[sflag:s28] =	ssyncset.done $0x0  }
0x8b: {  	[sflag:s28] =	ssyncadd.s32 $0xFFFFF800  }
0x8c: {  	[spmem:s3] =	stream.indirect.scatter.add.f32 [tilespmem:s21], [sflag:$0x6], $0x10, s13, s17, $0xb8;
	[tilespmem:$0x12980] =	vst v63  }
0x8d: {  	_ =	swait.ge [sflag:s29], $0x800  }
0x8e: {  	[sflag:s29] =	ssyncset.done $0x0  }
0x8f: {  	[sflag:s29] =	ssyncadd.s32 $0xFFFFF800  }
0x90: {  	[spmem:s3] =	stream.indirect.scatter.add.f32 [tilespmem:s23], [sflag:$0x7], $0x10, s11, s17, $0xb8;
	[tilespmem:$0x12980] =	vst v63  }
0x91: {  	_ =	swait.ge [sflag:s30], $0x800  }
0x92: {  	[sflag:s30] =	ssyncset.done $0x0  }
0x93: {  	[sflag:s30] =	ssyncadd.s32 $0xFFFFF800  }
0x94: {  	[spmem:s3] =	stream.indirect.scatter.add.f32 [tilespmem:s25], [sflag:$0x8], $0x10, s14, s17, $0xb8;
	[tilespmem:$0x12980] =	vst v63  }
0x95: {  	_ =	swait.ge [sflag:s31], $0x800  }
0x96: {  	[sflag:s31] =	ssyncset.done $0x0  }
0x97: {  	[sflag:s31] =	ssyncadd.s32 $0xFFFFF800  }
0x98: {  	_ =	swait.ge [sflag:s0], $0x800  }
0x99: {  	[sflag:s0] =	ssyncset.done $0x0  }
0x9a: {  	s4 =	sadd.s32 $0x1, s4;
	[sflag:s0] =	ssyncadd.s32 $0xFFFFF800  }
0x9b: {  	p0 =	sne.s32 s4, s8;
	_ =	swait.ge [sflag:s1], $0x800  }
.Ltmp2:
0x9c: {  	[sflag:s1] =	ssyncset.done $0x0;
	(pc) =	sbr.rel @p0 .LBB2_2-.Ltmp2, $4  }
0x9d: {  	[sflag:s1] =	ssyncadd.s32 $0xFFFFF800  }
0x9e: {  	_ =	swait.ge [sflag:s10], $0x800  }
0x9f: {  	[sflag:s10] =	ssyncset.done $0x0  }
0xa0: {  	[sflag:s10] =	ssyncadd.s32 $0xFFFFF800  }
0xa1: {  	[bflag:$0x0] =	sbarrier.arrive $0xFFFF  }
0xa2: {  	s16 =	rddreg [dreg:$0x6]  }
0xa3: {  	s2 =	rddreg [dreg:$0x7]  }
0xa4: {  	s4 =	rddreg [dreg:$0x9]  }
0xa5: {  	[hbm:s2], [sflag:s16] =	dma.local [spmem:s4], $0x1870  }
0xa6: {  	_ =	swait.ge [sflag:s9], $0x1870  }
0xa7: {  	s15 =	rddreg [dreg:$0x4]  }
0xa8: {  	s2 =	rddreg [dreg:$0x8];
	s15 =	sadd.s32 $0x1, s15  }
0xa9: {  	p0 =	sne.s32 s15, s2  }
.Ltmp3:
0xaa: {  	_ = 	snop;
	(pc) =	sbr.rel @p0 .LBB2_1-.Ltmp3, $3  }
0xab: {  	_ =	sdelay $0x1  }
0xac: {  	[sflag:s9] =	ssyncset.done $0x0  }
0xad: {  	[sflag:s9] =	ssyncadd.s32 $0xFFFFE790  }
0xae: {  	_ =	sfence.sel $0x180000  }
0xaf: {  	[bflag:$0x0] =	sbarrier.arrive $0xFFFF  }
0xb0: {  	_ =	strace $0x90000047  }
0xb1: {  	s0 =	stileid.u32;
	[bflag:$0x2] =	sbarrier.arrive $0xFFFF  }
0xb2: {  	p0 =	sne.s32 s0, $0x0;
	s0 =	rddreg [dreg:$0x3]  }
0xb3: {  	s0 =	sadd.s32 @!p0 $0x100000, s0  }
0xb4: {  	[sflag:s0] =	ssyncadd.tile.s32 @!p0 $0x1;
	_ =	shalt  }
.Lfunc_end2:
_tile_overlayer_lowered:
.L_overlay_start_2:
0xb5: {  	(tag) =	ssettag $0x2  }
0xb6: {  	s0 =	rddreg [dreg:$0x0];
	s2 =	stileid.u32  }
0xb7: {  	s1 =	rddreg [dreg:$0x1];
	p0 =	sne.s32 s2, $0x0  }
0xb8: {  	s3 =	rddreg [dreg:$0x2];
	[bflag:$0x3] =	sbarrier.arrive $0xFFFF;
	s2 =	simm.s32 @!p0 $0x1C09  }
0xb9: {  	[timem:s3], [sflag:s2] =	dma.local @!p0 [hbm:s0], s1  }
0xba: {  	s0 =	simm.s32 @!p0 $0x9  }
0xbb: {  	_ =	swait.ge @!p0 [sflag:s0], s1  }
0xbc: {  	s1 =	ssub.s32 @!p0 $0x0, s1;
	[sflag:s0] =	ssyncset.done @!p0 $0x0  }
0xbd: {  	[sflag:s0] =	ssyncadd.s32 @!p0 s1  }
0xbe: {  	[bflag:$0x3] =	sbarrier.arrive $0xFFFF  }
0xbf: {  	_ =	shalt  }

</sc_bundles>
